<compile_context>
chip_gen: v7x
topology: tpu7x:2x2x1
jax: 0.10.2.dev20260603
libtpu: 0.0.44.dev20260713+nightly
codegen_flags: <defaults>
</compile_context>

<pallas_src>
import functools

import jax
import jax.numpy as jnp
from jax import lax
from jax.experimental import pallas as pl
from jax.experimental.pallas import tpu as pltpu
from jax.experimental.pallas import tpu_sc as plsc

N = 10000
E = 160000
D = 256
DH = 128
NC = 2
NS = 16
NPAD = 10240
PAD_IDX = NPAD - 1
ROWS_PER_TILE = NPAD // NS
CHUNK = 128
NCHUNK = 80
EDGES_PER_TILE = E // NS
DEG_EDGES = 5008

_MESH = plsc.VectorSubcoreMesh(
    core_axis_name="c", subcore_axis_name="s", num_cores=NC, num_subcores=NS
)


@functools.partial(
    pl.kernel,
    out_type=jax.ShapeDtypeStruct((NC, NPAD), jnp.float32),
    mesh=_MESH,
    scratch_types=[
        pltpu.VMEM((DEG_EDGES,), jnp.int32),
        pltpu.VMEM((NPAD,), jnp.float32),
        pltpu.VMEM((ROWS_PER_TILE,), jnp.float32),
        pltpu.VMEM((ROWS_PER_TILE,), jnp.float32),
        pltpu.VMEM_SHARED((NS, NPAD), jnp.float32),
    ],
    compiler_params=pltpu.CompilerParams(needs_layout_passes=False),
)
def _deg_kernel(dstp, out, dstv, hist, accv, tmpv, stage):
    c = lax.axis_index("c")
    s = lax.axis_index("s")
    wid = c * NS + s
    pltpu.sync_copy(dstp.at[wid], dstv)
    z16 = jnp.zeros((16,), jnp.float32)

    def zb(i, _):
        hist[pl.ds(i * 16, 16)] = z16
        return 0

    lax.fori_loop(0, NPAD // 16, zb, 0)
    o16 = jnp.ones((16,), jnp.float32)

    def hb(i, _):
        idx = dstv[pl.ds(i * 16, 16)]
        plsc.addupdate_scatter(hist, [idx], o16)
        return 0

    lax.fori_loop(0, DEG_EDGES // 16, hb, 0)
    pltpu.sync_copy(hist, stage.at[s])
    plsc.subcore_barrier()
    col0 = s * ROWS_PER_TILE
    pltpu.sync_copy(stage.at[0, pl.ds(col0, ROWS_PER_TILE)], accv)

    def rb(t, _):
        pltpu.sync_copy(stage.at[t, pl.ds(col0, ROWS_PER_TILE)], tmpv)

        def ab(i, _):
            sl = pl.ds(i * 16, 16)
            accv[sl] = accv[sl] + tmpv[sl]
            return 0

        lax.fori_loop(0, ROWS_PER_TILE // 16, ab, 0)
        return 0

    lax.fori_loop(1, NS, rb, 0)
    pltpu.sync_copy(accv, out.at[c, pl.ds(col0, ROWS_PER_TILE)])


@functools.partial(
    pl.kernel,
    out_type=[
        jax.ShapeDtypeStruct((NPAD, DH), jnp.float32),
        jax.ShapeDtypeStruct((NPAD, DH), jnp.float32),
    ],
    mesh=_MESH,
    scratch_types=[
        pltpu.VMEM((NCHUNK * CHUNK,), jnp.int32),
        pltpu.VMEM((CHUNK,), jnp.int32),
        pltpu.VMEM((CHUNK,), jnp.int32),
        pltpu.VMEM((CHUNK, DH), jnp.float32),
        pltpu.VMEM((CHUNK, DH), jnp.float32),
        pltpu.VMEM_SHARED((NPAD, DH), jnp.float32),
        pltpu.SemaphoreType.DMA,
        pltpu.SemaphoreType.DMA,
        pltpu.SemaphoreType.DMA,
        pltpu.SemaphoreType.DMA,
    ],
)
def _segsum_kernel(
    xlo, xhi, srcb, dstr, out_lo, out_hi,
    srcv, didx0, didx1, buf0, buf1, acc,
    sg0, sg1, sd0, sd1,
):
    c = lax.axis_index("c")
    s = lax.axis_index("s")
    pltpu.sync_copy(srcb.at[s], srcv)
    rows0 = s * ROWS_PER_TILE

    bufs = (buf0, buf1)
    didxs = (didx0, didx1)
    sgs = (sg0, sg1)
    sds = (sd0, sd1)

    def _run(xref, outref):
        pltpu.sync_copy(
            xref.at[pl.ds(rows0, ROWS_PER_TILE)],
            acc.at[pl.ds(rows0, ROWS_PER_TILE)],
        )
        plsc.subcore_barrier()

        def gstart(j, p):
            idx = srcv.at[pl.ds(j * CHUNK, CHUNK)]
            pltpu.make_async_copy(xref.at[idx], bufs[p], sgs[p]).start()

        def gwait(j, p):
            idx = srcv.at[pl.ds(j * CHUNK, CHUNK)]
            pltpu.make_async_copy(xref.at[idx], bufs[p], sgs[p]).wait()

        def dstart(j, p):
            pltpu.make_async_copy(dstr.at[s, j], didxs[p], sds[p]).start()

        def dwait(j, p):
            pltpu.make_async_copy(dstr.at[s, j], didxs[p], sds[p]).wait()

        gstart(0, 0)
        dstart(0, 0)

        def body(jj, _):
            for p in range(2):
                j = jj * 2 + p
                gwait(j, p)
                dwait(j, p)

                @pl.when(j + 1 < NCHUNK)
                def _():
                    gstart(j + 1, (p + 1) % 2)
                    dstart(j + 1, (p + 1) % 2)

                pltpu.sync_copy(bufs[p], acc.at[didxs[p]], add=True)
            return 0

        lax.fori_loop(0, NCHUNK // 2, body, 0)
        plsc.subcore_barrier()
        pltpu.sync_copy(
            acc.at[pl.ds(rows0, ROWS_PER_TILE)],
            outref.at[pl.ds(rows0, ROWS_PER_TILE)],
        )

    @pl.when(c == 0)
    def _():
        _run(xlo, out_lo)

    @pl.when(c == 1)
    def _():
        _run(xhi, out_hi)


_RB = 1000


def _scale_body(x_ref, deg_ref, lo_ref, hi_ref, dinv_ref):
    dinv = lax.rsqrt(deg_ref[...])
    dinv_ref[...] = dinv
    lo_ref[...] = x_ref[:, 0:DH] * dinv
    hi_ref[...] = x_ref[:, DH:D] * dinv


_scale_call = pl.pallas_call(
    _scale_body,
    grid=(N // _RB,),
    in_specs=[
        pl.BlockSpec((_RB, D), lambda i: (i, 0)),
        pl.BlockSpec((_RB, 1), lambda i: (i, 0)),
    ],
    out_specs=[
        pl.BlockSpec((_RB, DH), lambda i: (i, 0)),
        pl.BlockSpec((_RB, DH), lambda i: (i, 0)),
        pl.BlockSpec((_RB, 1), lambda i: (i, 0)),
    ],
    out_shape=[
        jax.ShapeDtypeStruct((NPAD, DH), jnp.float32),
        jax.ShapeDtypeStruct((NPAD, DH), jnp.float32),
        jax.ShapeDtypeStruct((N, 1), jnp.float32),
    ],
)


def _convbn_body(alo, ahi, dv, w, bb, pre, st):
    i = pl.program_id(0)
    d = dv[...]
    h = jnp.dot(alo[...] * d, w[0:DH, :], preferred_element_type=jnp.float32)
    h = h + jnp.dot(ahi[...] * d, w[DH:D, :], preferred_element_type=jnp.float32)
    r = jnp.maximum(h + bb[...], 0.0)
    pre[...] = r

    @pl.when(i == 0)
    def _():
        st[...] = jnp.zeros_like(st)

    st[0:1, :] += jnp.sum(r, axis=0, keepdims=True)
    st[1:2, :] += jnp.sum(r * r, axis=0, keepdims=True)


_convbn_call = pl.pallas_call(
    _convbn_body,
    grid=(N // _RB,),
    in_specs=[
        pl.BlockSpec((_RB, DH), lambda i: (i, 0)),
        pl.BlockSpec((_RB, DH), lambda i: (i, 0)),
        pl.BlockSpec((_RB, 1), lambda i: (i, 0)),
        pl.BlockSpec((D, D), lambda i: (0, 0)),
        pl.BlockSpec((1, D), lambda i: (0, 0)),
    ],
    out_specs=[
        pl.BlockSpec((_RB, D), lambda i: (i, 0)),
        pl.BlockSpec((2, D), lambda i: (0, 0)),
    ],
    out_shape=[
        jax.ShapeDtypeStruct((N, D), jnp.float32),
        jax.ShapeDtypeStruct((2, D), jnp.float32),
    ],
)


def _affine_body(pre, sc_ref, sh_ref, o_ref):
    o_ref[...] = pre[...] * sc_ref[...] + sh_ref[...]


_affine_call = pl.pallas_call(
    _affine_body,
    grid=(N // _RB,),
    in_specs=[
        pl.BlockSpec((_RB, D), lambda i: (i, 0)),
        pl.BlockSpec((1, D), lambda i: (0, 0)),
        pl.BlockSpec((1, D), lambda i: (0, 0)),
    ],
    out_specs=pl.BlockSpec((_RB, D), lambda i: (i, 0)),
    out_shape=jax.ShapeDtypeStruct((N, D), jnp.float32),
)


def kernel(x, edge_index, W, b, gamma, beta):
    src = edge_index[0]
    dst = edge_index[1]

    dstp = jnp.concatenate(
        [dst, jnp.full((NC * NS * DEG_EDGES - E,), PAD_IDX, jnp.int32)]
    ).reshape(NC * NS, DEG_EDGES)
    partials = _deg_kernel(dstp)
    deg2d = (partials[0, :N] + partials[1, :N] + 1.0).reshape(N, 1)

    xs_lo, xs_hi, dinv2d = _scale_call(x, deg2d)

    tile_pad = jnp.full((NS, NCHUNK * CHUNK - EDGES_PER_TILE), PAD_IDX, jnp.int32)
    srcb = jnp.concatenate([src.reshape(NS, EDGES_PER_TILE), tile_pad], axis=1)
    dstr = jnp.concatenate([dst.reshape(NS, EDGES_PER_TILE), tile_pad], axis=1)
    dstr = dstr.reshape(NS, NCHUNK, CHUNK)

    agg_lo, agg_hi = _segsum_kernel(xs_lo, xs_hi, srcb, dstr)

    pre, stats = _convbn_call(agg_lo, agg_hi, dinv2d, W, b.reshape(1, D))
    mean = stats[0] / N
    var = stats[1] / N - mean * mean
    scale = gamma * lax.rsqrt(var + 1e-5)
    shift = beta - mean * scale
    out = _affine_call(pre, scale.reshape(1, D), shift.reshape(1, D))
    return out

# --- scband reference (transcript-rebuilt; emitter-appended) ---
"""Pipeline reference for scband-chem-conv-block-89206470738300 (READ-ONLY COPY).

The authoritative reference and input builder live on the scoring server;
editing this copy changes nothing except your own understanding.
"""

import jax, jax.numpy as jnp
import numpy as np

N = 10000
E = 160000
D_IN = 256
D_OUT = 256

def setup_inputs(seed: int = 0) -> dict:
    key = jax.random.key(seed)
    k1, k2, k3 = jax.random.split(key, 3)
    x = jax.random.normal(k1, (N, D_IN), dtype=jnp.float32)
    edge_index = jax.random.randint(k2, (2, E), 0, N, dtype=jnp.int32)
    W = jax.random.normal(k3, (D_IN, D_OUT), dtype=jnp.float32) * 0.05
    b = jnp.zeros((D_OUT,), dtype=jnp.float32)
    gamma = jnp.ones((D_OUT,), dtype=jnp.float32)
    beta = jnp.zeros((D_OUT,), dtype=jnp.float32)
    return {"x": x, "edge_index": edge_index, "W": W, "b": b, "gamma": gamma, "beta": beta}

def reference(x, edge_index, W, b, gamma, beta):
    # GCNConv: add self-loops + symmetric normalization D^-1/2 (A+I) D^-1/2 X W + b
    loop = jnp.arange(N, dtype=edge_index.dtype)
    src = jnp.concatenate([edge_index[0], loop])
    dst = jnp.concatenate([edge_index[1], loop])
    deg = jnp.zeros((N,), dtype=jnp.float32).at[dst].add(1.0)
    dinv = jnp.where(deg > 0, jax.lax.rsqrt(deg), 0.0)
    norm = dinv[src] * dinv[dst]
    h = x @ W
    msgs = h[src] * norm[:, None]
    out = jax.ops.segment_sum(msgs, dst, num_segments=N) + b
    # ReLU
    out = jax.nn.relu(out)
    # F.dropout: identity in deterministic/eval reference
    # BatchNorm over node (batch) dimension, training-mode batch statistics
    mean = jnp.mean(out, axis=0)
    var = jnp.var(out, axis=0)
    out = (out - mean) * jax.lax.rsqrt(var + 1e-5) * gamma + beta
    return out

if __name__ == "__main__":
    import jax
    _d = setup_inputs()
    print(jax.jit(kernel)(*tuple(_d.values())))

</pallas_src>

<mosaic_0001>
#map = affine_map<(d0, d1) -> (0, 0)>
module attributes {stable_mosaic.version = 14 : i64} {
  func.func @_deg_kernel(%arg0: i32, %arg1: i32, %arg2: memref<32x5008xi32, #tpu.memory_space<hbm>>, %arg3: memref<2x10240xf32, #tpu.memory_space<hbm>>, %arg4: memref<5008xi32, #tpu.memory_space<vmem>>, %arg5: memref<10240xf32, #tpu.memory_space<vmem>>, %arg6: memref<640xf32, #tpu.memory_space<vmem>>, %arg7: memref<640xf32, #tpu.memory_space<vmem>>, %arg8: memref<16x10240xf32, #tpu.memory_space<vmem_shared>>) attributes {dimension_semantics = [#tpu.dimension_semantics<core_parallel>, #tpu.dimension_semantics<subcore_parallel>], iteration_bounds = array<i64: 2, 16>, scalar_prefetch = 0 : i64, scratch_operands = 5 : i64, tpu.core_type = #tpu.core_type<sc_vector_subcore>, window_params = [{transform_indices = #map}, {transform_indices = #map}]} {
    %mul3A = arith.constant 16 : i32
    %mul3A_0 = arith.muli %arg0, %mul3A : i32
    %add3A = arith.addi %mul3A_0, %arg1 : i32
    "tpu.region"() ({
      %run_scoped3A_26 = tpu.sem_alloc : memref<!tpu.dma_semaphore, #tpu.memory_space<semaphore_mem>>
      %dma_start3A = arith.constant 0 : i32
      %dma_start3A_27 = tpu.memref_slice %arg2[%add3A, %dma_start3A] : memref<32x5008xi32, #tpu.memory_space<hbm>> -> memref<1x5008xi32, #tpu.memory_space<hbm>>
      %dma_start3A_28 = tpu.memref_squeeze %dma_start3A_27 : memref<1x5008xi32, #tpu.memory_space<hbm>> -> memref<5008xi32, #tpu.memory_space<hbm>>
      %dma_start3A_29 = arith.constant 0 : i32
      %dma_start3A_30 = tpu.memref_slice %arg2[%add3A, %dma_start3A_29] : memref<32x5008xi32, #tpu.memory_space<hbm>> -> memref<1x5008xi32, #tpu.memory_space<hbm>>
      %dma_start3A_31 = tpu.memref_squeeze %dma_start3A_30 : memref<1x5008xi32, #tpu.memory_space<hbm>> -> memref<5008xi32, #tpu.memory_space<hbm>>
      tpu.enqueue_dma source(%dma_start3A_31 : memref<5008xi32, #tpu.memory_space<hbm>>) target(%arg4 : memref<5008xi32, #tpu.memory_space<vmem>>) target_semaphore(%run_scoped3A_26 : memref<!tpu.dma_semaphore, #tpu.memory_space<semaphore_mem>>)
      %dma_wait3A = arith.constant 0 : i32
      %dma_wait3A_32 = tpu.memref_slice %arg2[%add3A, %dma_wait3A] : memref<32x5008xi32, #tpu.memory_space<hbm>> -> memref<1x5008xi32, #tpu.memory_space<hbm>>
      %dma_wait3A_33 = tpu.memref_squeeze %dma_wait3A_32 : memref<1x5008xi32, #tpu.memory_space<hbm>> -> memref<5008xi32, #tpu.memory_space<hbm>>
      %dma_wait3A_34 = arith.constant 0 : i32
      %dma_wait3A_35 = tpu.memref_slice %arg2[%add3A, %dma_wait3A_34] : memref<32x5008xi32, #tpu.memory_space<hbm>> -> memref<1x5008xi32, #tpu.memory_space<hbm>>
      %dma_wait3A_36 = tpu.memref_squeeze %dma_wait3A_35 : memref<1x5008xi32, #tpu.memory_space<hbm>> -> memref<5008xi32, #tpu.memory_space<hbm>>
      tpu.wait_dma2 semaphore(%run_scoped3A_26 : memref<!tpu.dma_semaphore, #tpu.memory_space<semaphore_mem>>) src(%dma_wait3A_36 : memref<5008xi32, #tpu.memory_space<hbm>>) dst(%arg4 : memref<5008xi32, #tpu.memory_space<vmem>>)
      tpu.yield
    }) : () -> ()
    %broadcast_in_dim3A = arith.constant 0.000000e+00 : f32
    %broadcast_in_dim3A_1 = vector.broadcast %broadcast_in_dim3A : f32 to vector<16xf32>
    %scan3A = arith.constant 0 : i32
    %scan3A_2 = arith.constant 0 : i32
    %scan3A_3 = arith.constant 640 : i32
    %scan3A_4 = arith.addi %scan3A_2, %scan3A_3 : i32
    %scan3A_5 = arith.constant 1 : i32
    %scan3A_6 = scf.for %scan3A_26 = %scan3A_2 to %scan3A_4 step %scan3A_5 iter_args(%scan3A_27 = %scan3A) -> (i32)  : i32 {
      %mul3A_28 = arith.constant 16 : i32
      %mul3A_29 = arith.muli %scan3A_26, %mul3A_28 : i32
      %swap3A = arith.index_cast %mul3A_29 : i32 to index
      %swap3A_30 = tpu.vector_load %arg5[%swap3A] {strides = array<i32>} : memref<10240xf32, #tpu.memory_space<vmem>>, vector<16xf32>,
      tpu.vector_store %arg5[%swap3A], %broadcast_in_dim3A_1 {strides = array<i32>} : memref<10240xf32, #tpu.memory_space<vmem>>, vector<16xf32>,
      %scan3A_31 = arith.constant 0 : i32
      scf.yield %scan3A_31 : i32
    }
    %scan3A_7 = arith.constant 640 : i32
    %broadcast_in_dim3A_8 = arith.constant 1.000000e+00 : f32
    %broadcast_in_dim3A_9 = vector.broadcast %broadcast_in_dim3A_8 : f32 to vector<16xf32>
    %scan3A_10 = arith.constant 0 : i32
    %scan3A_11 = arith.constant 0 : i32
    %scan3A_12 = arith.constant 313 : i32
    %scan3A_13 = arith.addi %scan3A_11, %scan3A_12 : i32
    %scan3A_14 = arith.constant 1 : i32
    %scan3A_15 = scf.for %scan3A_26 = %scan3A_11 to %scan3A_13 step %scan3A_14 iter_args(%scan3A_27 = %scan3A_10) -> (i32)  : i32 {
      %mul3A_28 = arith.constant 16 : i32
      %mul3A_29 = arith.muli %scan3A_26, %mul3A_28 : i32
      %get3A = arith.index_cast %mul3A_29 : i32 to index
      %get3A_30 = tpu.vector_load %arg4[%get3A] {strides = array<i32>} : memref<5008xi32, #tpu.memory_space<vmem>>, vector<16xi32>,
      tpu.vector_store_idx %arg5[%get3A_30], %broadcast_in_dim3A_9 {add = true} : memref<10240xf32, #tpu.memory_space<vmem>>[vector<16xi32>], vector<16xf32>,
      %scan3A_31 = arith.constant 0 : i32
      scf.yield %scan3A_31 : i32
    }
    %scan3A_16 = arith.constant 313 : i32
    "tpu.region"() ({
      %run_scoped3A_26 = tpu.sem_alloc : memref<!tpu.dma_semaphore, #tpu.memory_space<semaphore_mem>>
      %dma_start3A = arith.constant 0 : i32
      %dma_start3A_27 = tpu.memref_slice %arg8[%arg1, %dma_start3A] : memref<16x10240xf32, #tpu.memory_space<vmem_shared>> -> memref<1x10240xf32, #tpu.memory_space<vmem_shared>>
      %dma_start3A_28 = tpu.memref_squeeze %dma_start3A_27 : memref<1x10240xf32, #tpu.memory_space<vmem_shared>> -> memref<10240xf32, #tpu.memory_space<vmem_shared>>
      %dma_start3A_29 = arith.constant 0 : i32
      %dma_start3A_30 = tpu.memref_slice %arg8[%arg1, %dma_start3A_29] : memref<16x10240xf32, #tpu.memory_space<vmem_shared>> -> memref<1x10240xf32, #tpu.memory_space<vmem_shared>>
      %dma_start3A_31 = tpu.memref_squeeze %dma_start3A_30 : memref<1x10240xf32, #tpu.memory_space<vmem_shared>> -> memref<10240xf32, #tpu.memory_space<vmem_shared>>
      tpu.enqueue_dma source(%arg5 : memref<10240xf32, #tpu.memory_space<vmem>>) target(%dma_start3A_31 : memref<10240xf32, #tpu.memory_space<vmem_shared>>) target_semaphore(%run_scoped3A_26 : memref<!tpu.dma_semaphore, #tpu.memory_space<semaphore_mem>>)
      %dma_wait3A = arith.constant 0 : i32
      %dma_wait3A_32 = tpu.memref_slice %arg8[%arg1, %dma_wait3A] : memref<16x10240xf32, #tpu.memory_space<vmem_shared>> -> memref<1x10240xf32, #tpu.memory_space<vmem_shared>>
      %dma_wait3A_33 = tpu.memref_squeeze %dma_wait3A_32 : memref<1x10240xf32, #tpu.memory_space<vmem_shared>> -> memref<10240xf32, #tpu.memory_space<vmem_shared>>
      %dma_wait3A_34 = arith.constant 0 : i32
      %dma_wait3A_35 = tpu.memref_slice %arg8[%arg1, %dma_wait3A_34] : memref<16x10240xf32, #tpu.memory_space<vmem_shared>> -> memref<1x10240xf32, #tpu.memory_space<vmem_shared>>
      %dma_wait3A_36 = tpu.memref_squeeze %dma_wait3A_35 : memref<1x10240xf32, #tpu.memory_space<vmem_shared>> -> memref<10240xf32, #tpu.memory_space<vmem_shared>>
      tpu.wait_dma2 semaphore(%run_scoped3A_26 : memref<!tpu.dma_semaphore, #tpu.memory_space<semaphore_mem>>) src(%arg5 : memref<10240xf32, #tpu.memory_space<vmem>>) dst(%dma_wait3A_36 : memref<10240xf32, #tpu.memory_space<vmem_shared>>)
      tpu.yield
    }) : () -> ()
    %barrier3A = arith.constant 0 : index
    tpu.barrier barrier_id(%barrier3A)
    %mul3A_17 = arith.constant 640 : i32
    %mul3A_18 = arith.muli %arg1, %mul3A_17 : i32
    %run_scoped3A = arith.constant 0 : i32
    "tpu.region"() ({
      %run_scoped3A_26 = tpu.sem_alloc : memref<!tpu.dma_semaphore, #tpu.memory_space<semaphore_mem>>
      %dma_start3A = tpu.memref_slice %arg8[%run_scoped3A, %mul3A_18] : memref<16x10240xf32, #tpu.memory_space<vmem_shared>> -> memref<1x640xf32, #tpu.memory_space<vmem_shared>>
      %dma_start3A_27 = tpu.memref_squeeze %dma_start3A : memref<1x640xf32, #tpu.memory_space<vmem_shared>> -> memref<640xf32, #tpu.memory_space<vmem_shared>>
      %dma_start3A_28 = tpu.memref_slice %arg8[%run_scoped3A, %mul3A_18] : memref<16x10240xf32, #tpu.memory_space<vmem_shared>> -> memref<1x640xf32, #tpu.memory_space<vmem_shared>>
      %dma_start3A_29 = tpu.memref_squeeze %dma_start3A_28 : memref<1x640xf32, #tpu.memory_space<vmem_shared>> -> memref<640xf32, #tpu.memory_space<vmem_shared>>
      tpu.enqueue_dma source(%dma_start3A_29 : memref<640xf32, #tpu.memory_space<vmem_shared>>) target(%arg6 : memref<640xf32, #tpu.memory_space<vmem>>) target_semaphore(%run_scoped3A_26 : memref<!tpu.dma_semaphore, #tpu.memory_space<semaphore_mem>>)
      %dma_wait3A = tpu.memref_slice %arg8[%run_scoped3A, %mul3A_18] : memref<16x10240xf32, #tpu.memory_space<vmem_shared>> -> memref<1x640xf32, #tpu.memory_space<vmem_shared>>
      %dma_wait3A_30 = tpu.memref_squeeze %dma_wait3A : memref<1x640xf32, #tpu.memory_space<vmem_shared>> -> memref<640xf32, #tpu.memory_space<vmem_shared>>
      %dma_wait3A_31 = tpu.memref_slice %arg8[%run_scoped3A, %mul3A_18] : memref<16x10240xf32, #tpu.memory_space<vmem_shared>> -> memref<1x640xf32, #tpu.memory_space<vmem_shared>>
      %dma_wait3A_32 = tpu.memref_squeeze %dma_wait3A_31 : memref<1x640xf32, #tpu.memory_space<vmem_shared>> -> memref<640xf32, #tpu.memory_space<vmem_shared>>
      tpu.wait_dma2 semaphore(%run_scoped3A_26 : memref<!tpu.dma_semaphore, #tpu.memory_space<semaphore_mem>>) src(%dma_wait3A_32 : memref<640xf32, #tpu.memory_space<vmem_shared>>) dst(%arg6 : memref<640xf32, #tpu.memory_space<vmem>>)
      tpu.yield
    }) : () -> ()
    %scan3A_19 = arith.constant 0 : i32
    %scan3A_20 = arith.constant 1 : i32
    %scan3A_21 = arith.constant 15 : i32
    %scan3A_22 = arith.addi %scan3A_20, %scan3A_21 : i32
    %scan3A_23 = arith.constant 1 : i32
    %scan3A_24 = scf.for %scan3A_26 = %scan3A_20 to %scan3A_22 step %scan3A_23 iter_args(%scan3A_27 = %scan3A_19) -> (i32)  : i32 {
      "tpu.region"() ({
        %run_scoped3A_36 = tpu.sem_alloc : memref<!tpu.dma_semaphore, #tpu.memory_space<semaphore_mem>>
        %dma_start3A = tpu.memref_slice %arg8[%scan3A_26, %mul3A_18] : memref<16x10240xf32, #tpu.memory_space<vmem_shared>> -> memref<1x640xf32, #tpu.memory_space<vmem_shared>>
        %dma_start3A_37 = tpu.memref_squeeze %dma_start3A : memref<1x640xf32, #tpu.memory_space<vmem_shared>> -> memref<640xf32, #tpu.memory_space<vmem_shared>>
        %dma_start3A_38 = tpu.memref_slice %arg8[%scan3A_26, %mul3A_18] : memref<16x10240xf32, #tpu.memory_space<vmem_shared>> -> memref<1x640xf32, #tpu.memory_space<vmem_shared>>
        %dma_start3A_39 = tpu.memref_squeeze %dma_start3A_38 : memref<1x640xf32, #tpu.memory_space<vmem_shared>> -> memref<640xf32, #tpu.memory_space<vmem_shared>>
        tpu.enqueue_dma source(%dma_start3A_39 : memref<640xf32, #tpu.memory_space<vmem_shared>>) target(%arg7 : memref<640xf32, #tpu.memory_space<vmem>>) target_semaphore(%run_scoped3A_36 : memref<!tpu.dma_semaphore, #tpu.memory_space<semaphore_mem>>)
        %dma_wait3A = tpu.memref_slice %arg8[%scan3A_26, %mul3A_18] : memref<16x10240xf32, #tpu.memory_space<vmem_shared>> -> memref<1x640xf32, #tpu.memory_space<vmem_shared>>
        %dma_wait3A_40 = tpu.memref_squeeze %dma_wait3A : memref<1x640xf32, #tpu.memory_space<vmem_shared>> -> memref<640xf32, #tpu.memory_space<vmem_shared>>
        %dma_wait3A_41 = tpu.memref_slice %arg8[%scan3A_26, %mul3A_18] : memref<16x10240xf32, #tpu.memory_space<vmem_shared>> -> memref<1x640xf32, #tpu.memory_space<vmem_shared>>
        %dma_wait3A_42 = tpu.memref_squeeze %dma_wait3A_41 : memref<1x640xf32, #tpu.memory_space<vmem_shared>> -> memref<640xf32, #tpu.memory_space<vmem_shared>>
        tpu.wait_dma2 semaphore(%run_scoped3A_36 : memref<!tpu.dma_semaphore, #tpu.memory_space<semaphore_mem>>) src(%dma_wait3A_42 : memref<640xf32, #tpu.memory_space<vmem_shared>>) dst(%arg7 : memref<640xf32, #tpu.memory_space<vmem>>)
        tpu.yield
      }) : () -> ()
      %scan3A_28 = arith.constant 0 : i32
      %scan3A_29 = arith.constant 0 : i32
      %scan3A_30 = arith.constant 40 : i32
      %scan3A_31 = arith.addi %scan3A_29, %scan3A_30 : i32
      %scan3A_32 = arith.constant 1 : i32
      %scan3A_33 = scf.for %scan3A_36 = %scan3A_29 to %scan3A_31 step %scan3A_32 iter_args(%scan3A_37 = %scan3A_28) -> (i32)  : i32 {
        %mul3A_38 = arith.constant 16 : i32
        %mul3A_39 = arith.muli %scan3A_36, %mul3A_38 : i32
        %get3A = arith.index_cast %mul3A_39 : i32 to index
        %get3A_40 = tpu.vector_load %arg6[%get3A] {strides = array<i32>} : memref<640xf32, #tpu.memory_space<vmem>>, vector<16xf32>,
        %get3A_41 = arith.index_cast %mul3A_39 : i32 to index
        %get3A_42 = tpu.vector_load %arg7[%get3A_41] {strides = array<i32>} : memref<640xf32, #tpu.memory_space<vmem>>, vector<16xf32>,
        %add3A_43 = arith.addf %get3A_40, %get3A_42 : vector<16xf32>
        %swap3A = arith.index_cast %mul3A_39 : i32 to index
        %swap3A_44 = tpu.vector_load %arg6[%swap3A] {strides = array<i32>} : memref<640xf32, #tpu.memory_space<vmem>>, vector<16xf32>,
        tpu.vector_store %arg6[%swap3A], %add3A_43 {strides = array<i32>} : memref<640xf32, #tpu.memory_space<vmem>>, vector<16xf32>,
        %scan3A_45 = arith.constant 0 : i32
        scf.yield %scan3A_45 : i32
      }
      %scan3A_34 = arith.constant 40 : i32
      %scan3A_35 = arith.constant 0 : i32
      scf.yield %scan3A_35 : i32
    }
    %scan3A_25 = arith.constant 15 : i32
    "tpu.region"() ({
      %run_scoped3A_26 = tpu.sem_alloc : memref<!tpu.dma_semaphore, #tpu.memory_space<semaphore_mem>>
      %dma_start3A = tpu.memref_slice %arg3[%arg0, %mul3A_18] : memref<2x10240xf32, #tpu.memory_space<hbm>> -> memref<1x640xf32, #tpu.memory_space<hbm>>
      %dma_start3A_27 = tpu.memref_squeeze %dma_start3A : memref<1x640xf32, #tpu.memory_space<hbm>> -> memref<640xf32, #tpu.memory_space<hbm>>
      %dma_start3A_28 = tpu.memref_slice %arg3[%arg0, %mul3A_18] : memref<2x10240xf32, #tpu.memory_space<hbm>> -> memref<1x640xf32, #tpu.memory_space<hbm>>
      %dma_start3A_29 = tpu.memref_squeeze %dma_start3A_28 : memref<1x640xf32, #tpu.memory_space<hbm>> -> memref<640xf32, #tpu.memory_space<hbm>>
      tpu.enqueue_dma source(%arg6 : memref<640xf32, #tpu.memory_space<vmem>>) target(%dma_start3A_29 : memref<640xf32, #tpu.memory_space<hbm>>) target_semaphore(%run_scoped3A_26 : memref<!tpu.dma_semaphore, #tpu.memory_space<semaphore_mem>>)
      %dma_wait3A = tpu.memref_slice %arg3[%arg0, %mul3A_18] : memref<2x10240xf32, #tpu.memory_space<hbm>> -> memref<1x640xf32, #tpu.memory_space<hbm>>
      %dma_wait3A_30 = tpu.memref_squeeze %dma_wait3A : memref<1x640xf32, #tpu.memory_space<hbm>> -> memref<640xf32, #tpu.memory_space<hbm>>
      %dma_wait3A_31 = tpu.memref_slice %arg3[%arg0, %mul3A_18] : memref<2x10240xf32, #tpu.memory_space<hbm>> -> memref<1x640xf32, #tpu.memory_space<hbm>>
      %dma_wait3A_32 = tpu.memref_squeeze %dma_wait3A_31 : memref<1x640xf32, #tpu.memory_space<hbm>> -> memref<640xf32, #tpu.memory_space<hbm>>
      tpu.wait_dma2 semaphore(%run_scoped3A_26 : memref<!tpu.dma_semaphore, #tpu.memory_space<semaphore_mem>>) src(%arg6 : memref<640xf32, #tpu.memory_space<vmem>>) dst(%dma_wait3A_32 : memref<640xf32, #tpu.memory_space<hbm>>)
      tpu.yield
    }) : () -> ()
    return
  }
}

#map = affine_map<(d0, d1) -> (0, 0)>
#map1 = affine_map<(d0, d1) -> (0, 0, 0)>
module attributes {stable_mosaic.version = 14 : i64} {
  func.func @_segsum_kernel(%arg0: i32, %arg1: i32, %arg2: memref<10240x128xf32, #tpu.memory_space<hbm>>, %arg3: memref<10240x128xf32, #tpu.memory_space<hbm>>, %arg4: memref<16x10240xi32, #tpu.memory_space<hbm>>, %arg5: memref<16x80x128xi32, #tpu.memory_space<hbm>>, %arg6: memref<10240x128xf32, #tpu.memory_space<hbm>>, %arg7: memref<10240x128xf32, #tpu.memory_space<hbm>>, %arg8: memref<10240xi32, #tpu.memory_space<vmem>>, %arg9: memref<128xi32, #tpu.memory_space<vmem>>, %arg10: memref<128xi32, #tpu.memory_space<vmem>>, %arg11: memref<128x128xf32, #tpu.memory_space<vmem>>, %arg12: memref<128x128xf32, #tpu.memory_space<vmem>>, %arg13: memref<10240x128xf32, #tpu.memory_space<vmem_shared>>, %arg14: memref<!tpu.dma_semaphore, #tpu.memory_space<semaphore_mem>>, %arg15: memref<!tpu.dma_semaphore, #tpu.memory_space<semaphore_mem>>, %arg16: memref<!tpu.dma_semaphore, #tpu.memory_space<semaphore_mem>>, %arg17: memref<!tpu.dma_semaphore, #tpu.memory_space<semaphore_mem>>) attributes {dimension_semantics = [#tpu.dimension_semantics<core_parallel>, #tpu.dimension_semantics<subcore_parallel>], iteration_bounds = array<i64: 2, 16>, scalar_prefetch = 0 : i64, scratch_operands = 10 : i64, tpu.core_type = #tpu.core_type<sc_vector_subcore>, window_params = [{transform_indices = #map}, {transform_indices = #map}, {transform_indices = #map}, {transform_indices = #map1}, {transform_indices = #map}, {transform_indices = #map}]} {
    "tpu.region"() ({
      %run_scoped3A = tpu.sem_alloc : memref<!tpu.dma_semaphore, #tpu.memory_space<semaphore_mem>>
      %dma_start3A = arith.constant 0 : i32
      %dma_start3A_8 = tpu.memref_slice %arg4[%arg1, %dma_start3A] : memref<16x10240xi32, #tpu.memory_space<hbm>> -> memref<1x10240xi32, #tpu.memory_space<hbm>>
      %dma_start3A_9 = tpu.memref_squeeze %dma_start3A_8 : memref<1x10240xi32, #tpu.memory_space<hbm>> -> memref<10240xi32, #tpu.memory_space<hbm>>
      %dma_start3A_10 = arith.constant 0 : i32
      %dma_start3A_11 = tpu.memref_slice %arg4[%arg1, %dma_start3A_10] : memref<16x10240xi32, #tpu.memory_space<hbm>> -> memref<1x10240xi32, #tpu.memory_space<hbm>>
      %dma_start3A_12 = tpu.memref_squeeze %dma_start3A_11 : memref<1x10240xi32, #tpu.memory_space<hbm>> -> memref<10240xi32, #tpu.memory_space<hbm>>
      tpu.enqueue_dma source(%dma_start3A_12 : memref<10240xi32, #tpu.memory_space<hbm>>) target(%arg8 : memref<10240xi32, #tpu.memory_space<vmem>>) target_semaphore(%run_scoped3A : memref<!tpu.dma_semaphore, #tpu.memory_space<semaphore_mem>>)
      %dma_wait3A = arith.constant 0 : i32
      %dma_wait3A_13 = tpu.memref_slice %arg4[%arg1, %dma_wait3A] : memref<16x10240xi32, #tpu.memory_space<hbm>> -> memref<1x10240xi32, #tpu.memory_space<hbm>>
      %dma_wait3A_14 = tpu.memref_squeeze %dma_wait3A_13 : memref<1x10240xi32, #tpu.memory_space<hbm>> -> memref<10240xi32, #tpu.memory_space<hbm>>
      %dma_wait3A_15 = arith.constant 0 : i32
      %dma_wait3A_16 = tpu.memref_slice %arg4[%arg1, %dma_wait3A_15] : memref<16x10240xi32, #tpu.memory_space<hbm>> -> memref<1x10240xi32, #tpu.memory_space<hbm>>
      %dma_wait3A_17 = tpu.memref_squeeze %dma_wait3A_16 : memref<1x10240xi32, #tpu.memory_space<hbm>> -> memref<10240xi32, #tpu.memory_space<hbm>>
      tpu.wait_dma2 semaphore(%run_scoped3A : memref<!tpu.dma_semaphore, #tpu.memory_space<semaphore_mem>>) src(%dma_wait3A_17 : memref<10240xi32, #tpu.memory_space<hbm>>) dst(%arg8 : memref<10240xi32, #tpu.memory_space<vmem>>)
      tpu.yield
    }) : () -> ()
    %mul3A = arith.constant 640 : i32
    %mul3A_0 = arith.muli %arg1, %mul3A : i32
    %eq3A = arith.constant 0 : i32
    %eq3A_1 = arith.cmpi eq, %arg0, %eq3A : i32
    %convert_element_type3A = arith.extui %eq3A_1 : i1 to i32
    %cond3A = arith.constant 0 : i32
    %cond3A_2 = arith.cmpi ne, %convert_element_type3A, %cond3A : i32
    scf.if %cond3A_2 {
      "tpu.region"() ({
        %run_scoped3A = tpu.sem_alloc : memref<!tpu.dma_semaphore, #tpu.memory_space<semaphore_mem>>
        %dma_start3A_26 = arith.constant 0 : i32
        %dma_start3A_27 = tpu.memref_slice %arg13[%mul3A_0, %dma_start3A_26] : memref<10240x128xf32, #tpu.memory_space<vmem_shared>> -> memref<640x128xf32, #tpu.memory_space<vmem_shared>>
        %dma_start3A_28 = arith.constant 0 : i32
        %dma_start3A_29 = tpu.memref_slice %arg2[%mul3A_0, %dma_start3A_28] : memref<10240x128xf32, #tpu.memory_space<hbm>> -> memref<640x128xf32, #tpu.memory_space<hbm>>
        tpu.enqueue_dma source(%dma_start3A_29 : memref<640x128xf32, #tpu.memory_space<hbm>>) target(%dma_start3A_27 : memref<640x128xf32, #tpu.memory_space<vmem_shared>>) target_semaphore(%run_scoped3A : memref<!tpu.dma_semaphore, #tpu.memory_space<semaphore_mem>>)
        %dma_wait3A = arith.constant 0 : i32
        %dma_wait3A_30 = tpu.memref_slice %arg13[%mul3A_0, %dma_wait3A] : memref<10240x128xf32, #tpu.memory_space<vmem_shared>> -> memref<640x128xf32, #tpu.memory_space<vmem_shared>>
        %dma_wait3A_31 = arith.constant 0 : i32
        %dma_wait3A_32 = tpu.memref_slice %arg2[%mul3A_0, %dma_wait3A_31] : memref<10240x128xf32, #tpu.memory_space<hbm>> -> memref<640x128xf32, #tpu.memory_space<hbm>>
        tpu.wait_dma2 semaphore(%run_scoped3A : memref<!tpu.dma_semaphore, #tpu.memory_space<semaphore_mem>>) src(%dma_wait3A_32 : memref<640x128xf32, #tpu.memory_space<hbm>>) dst(%dma_wait3A_30 : memref<640x128xf32, #tpu.memory_space<vmem_shared>>)
        tpu.yield
      }) : () -> ()
      %barrier3A = arith.constant 0 : index
      tpu.barrier barrier_id(%barrier3A)
      %dma_start3A = arith.constant 0 : i32
      %dma_start3A_8 = tpu.memref_slice %arg8[%dma_start3A] : memref<10240xi32, #tpu.memory_space<vmem>> -> memref<128xi32, #tpu.memory_space<vmem>>
      %dma_start3A_9 = arith.constant 0 : i32
      %dma_start3A_10 = arith.constant 0 : i32
      %dma_start3A_11 = tpu.memref_slice %arg2[%dma_start3A_9, %dma_start3A_10] : memref<10240x128xf32, #tpu.memory_space<hbm>> -> memref<10240x128xf32, #tpu.memory_space<hbm>>
      tpu.enqueue_indirect_dma source(%dma_start3A_11 : memref<10240x128xf32, #tpu.memory_space<hbm>>) target(%arg11 : memref<128x128xf32, #tpu.memory_space<vmem>>) offsets(%dma_start3A_8 : memref<128xi32, #tpu.memory_space<vmem>>) semaphore(%arg14 : memref<!tpu.dma_semaphore, #tpu.memory_space<semaphore_mem>>)
      %dma_start3A_12 = arith.constant 0 : i32
      %dma_start3A_13 = arith.constant 0 : i32
      %dma_start3A_14 = tpu.memref_slice %arg5[%arg1, %dma_start3A_12, %dma_start3A_13] : memref<16x80x128xi32, #tpu.memory_space<hbm>> -> memref<1x1x128xi32, #tpu.memory_space<hbm>>
      %dma_start3A_15 = tpu.memref_squeeze %dma_start3A_14 : memref<1x1x128xi32, #tpu.memory_space<hbm>> -> memref<128xi32, #tpu.memory_space<hbm>>
      %dma_start3A_16 = arith.constant 0 : i32
      %dma_start3A_17 = tpu.memref_slice %arg5[%arg1, %dma_start3A_12, %dma_start3A_16] : memref<16x80x128xi32, #tpu.memory_space<hbm>> -> memref<1x1x128xi32, #tpu.memory_space<hbm>>
      %dma_start3A_18 = tpu.memref_squeeze %dma_start3A_17 : memref<1x1x128xi32, #tpu.memory_space<hbm>> -> memref<128xi32, #tpu.memory_space<hbm>>
      tpu.enqueue_dma source(%dma_start3A_18 : memref<128xi32, #tpu.memory_space<hbm>>) target(%arg9 : memref<128xi32, #tpu.memory_space<vmem>>) target_semaphore(%arg16 : memref<!tpu.dma_semaphore, #tpu.memory_space<semaphore_mem>>)
      %scan3A = arith.constant 0 : i32
      %scan3A_19 = arith.constant 0 : i32
      %scan3A_20 = arith.constant 40 : i32
      %scan3A_21 = arith.addi %scan3A_19, %scan3A_20 : i32
      %scan3A_22 = arith.constant 1 : i32
      %scan3A_23 = scf.for %scan3A_26 = %scan3A_19 to %scan3A_21 step %scan3A_22 iter_args(%scan3A_27 = %scan3A) -> (i32)  : i32 {
        %mul3A_28 = arith.constant 2 : i32
        %mul3A_29 = arith.muli %scan3A_26, %mul3A_28 : i32
        %add3A = arith.constant 0 : i32
        %add3A_30 = arith.addi %mul3A_29, %add3A : i32
        %mul3A_31 = arith.constant 128 : i32
        %mul3A_32 = arith.muli %add3A_30, %mul3A_31 : i32
        %dma_wait3A = tpu.memref_slice %arg8[%mul3A_32] : memref<10240xi32, #tpu.memory_space<vmem>> -> memref<128xi32, #tpu.memory_space<vmem>>
        %dma_wait3A_33 = arith.constant 0 : i32
        %dma_wait3A_34 = arith.constant 0 : i32
        %dma_wait3A_35 = tpu.memref_slice %arg2[%dma_wait3A_33, %dma_wait3A_34] : memref<10240x128xf32, #tpu.memory_space<hbm>> -> memref<10240x128xf32, #tpu.memory_space<hbm>>
        tpu.wait_indirect_dma semaphore(%arg14 : memref<!tpu.dma_semaphore, #tpu.memory_space<semaphore_mem>>) src(%dma_wait3A_35 : memref<10240x128xf32, #tpu.memory_space<hbm>>) dst(%arg11 : memref<128x128xf32, #tpu.memory_space<vmem>>)
        %dma_wait3A_36 = arith.constant 0 : i32
        %dma_wait3A_37 = tpu.memref_slice %arg5[%arg1, %add3A_30, %dma_wait3A_36] : memref<16x80x128xi32, #tpu.memory_space<hbm>> -> memref<1x1x128xi32, #tpu.memory_space<hbm>>
        %dma_wait3A_38 = tpu.memref_squeeze %dma_wait3A_37 : memref<1x1x128xi32, #tpu.memory_space<hbm>> -> memref<128xi32, #tpu.memory_space<hbm>>
        %dma_wait3A_39 = arith.constant 0 : i32
        %dma_wait3A_40 = tpu.memref_slice %arg5[%arg1, %add3A_30, %dma_wait3A_39] : memref<16x80x128xi32, #tpu.memory_space<hbm>> -> memref<1x1x128xi32, #tpu.memory_space<hbm>>
        %dma_wait3A_41 = tpu.memref_squeeze %dma_wait3A_40 : memref<1x1x128xi32, #tpu.memory_space<hbm>> -> memref<128xi32, #tpu.memory_space<hbm>>
        tpu.wait_dma2 semaphore(%arg16 : memref<!tpu.dma_semaphore, #tpu.memory_space<semaphore_mem>>) src(%dma_wait3A_41 : memref<128xi32, #tpu.memory_space<hbm>>) dst(%arg9 : memref<128xi32, #tpu.memory_space<vmem>>)
        %add3A_42 = arith.constant 1 : i32
        %add3A_43 = arith.addi %add3A_30, %add3A_42 : i32
        %lt3A = arith.constant 80 : i32
        %lt3A_44 = arith.cmpi slt, %add3A_43, %lt3A : i32
        %convert_element_type3A_45 = arith.extui %lt3A_44 : i1 to i32
        %cond3A_46 = arith.constant 0 : i32
        %cond3A_47 = arith.cmpi ne, %convert_element_type3A_45, %cond3A_46 : i32
        scf.if %cond3A_47 {
          %add3A_72 = arith.constant 1 : i32
          %add3A_73 = arith.addi %add3A_30, %add3A_72 : i32
          %mul3A_74 = arith.constant 128 : i32
          %mul3A_75 = arith.muli %add3A_73, %mul3A_74 : i32
          %dma_start3A_76 = tpu.memref_slice %arg8[%mul3A_75] : memref<10240xi32, #tpu.memory_space<vmem>> -> memref<128xi32, #tpu.memory_space<vmem>>
          %dma_start3A_77 = arith.constant 0 : i32
          %dma_start3A_78 = arith.constant 0 : i32
          %dma_start3A_79 = tpu.memref_slice %arg2[%dma_start3A_77, %dma_start3A_78] : memref<10240x128xf32, #tpu.memory_space<hbm>> -> memref<10240x128xf32, #tpu.memory_space<hbm>>
          tpu.enqueue_indirect_dma source(%dma_start3A_79 : memref<10240x128xf32, #tpu.memory_space<hbm>>) target(%arg12 : memref<128x128xf32, #tpu.memory_space<vmem>>) offsets(%dma_start3A_76 : memref<128xi32, #tpu.memory_space<vmem>>) semaphore(%arg15 : memref<!tpu.dma_semaphore, #tpu.memory_space<semaphore_mem>>)
          %add3A_80 = arith.constant 1 : i32
          %add3A_81 = arith.addi %add3A_30, %add3A_80 : i32
          %dma_start3A_82 = arith.constant 0 : i32
          %dma_start3A_83 = tpu.memref_slice %arg5[%arg1, %add3A_81, %dma_start3A_82] : memref<16x80x128xi32, #tpu.memory_space<hbm>> -> memref<1x1x128xi32, #tpu.memory_space<hbm>>
          %dma_start3A_84 = tpu.memref_squeeze %dma_start3A_83 : memref<1x1x128xi32, #tpu.memory_space<hbm>> -> memref<128xi32, #tpu.memory_space<hbm>>
          %dma_start3A_85 = arith.constant 0 : i32
          %dma_start3A_86 = tpu.memref_slice %arg5[%arg1, %add3A_81, %dma_start3A_85] : memref<16x80x128xi32, #tpu.memory_space<hbm>> -> memref<1x1x128xi32, #tpu.memory_space<hbm>>
          %dma_start3A_87 = tpu.memref_squeeze %dma_start3A_86 : memref<1x1x128xi32, #tpu.memory_space<hbm>> -> memref<128xi32, #tpu.memory_space<hbm>>
          tpu.enqueue_dma source(%dma_start3A_87 : memref<128xi32, #tpu.memory_space<hbm>>) target(%arg10 : memref<128xi32, #tpu.memory_space<vmem>>) target_semaphore(%arg17 : memref<!tpu.dma_semaphore, #tpu.memory_space<semaphore_mem>>)
        } else {
        }
        "tpu.region"() ({
          %run_scoped3A = tpu.sem_alloc : memref<!tpu.dma_semaphore, #tpu.memory_space<semaphore_mem>>
          %dma_start3A_72 = arith.constant 0 : i32
          %dma_start3A_73 = arith.constant 0 : i32
          %dma_start3A_74 = tpu.memref_slice %arg13[%dma_start3A_72, %dma_start3A_73] : memref<10240x128xf32, #tpu.memory_space<vmem_shared>> -> memref<10240x128xf32, #tpu.memory_space<vmem_shared>>
          tpu.enqueue_indirect_dma source(%arg11 : memref<128x128xf32, #tpu.memory_space<vmem>>) target(%dma_start3A_74 : memref<10240x128xf32, #tpu.memory_space<vmem_shared>>) offsets(%arg9 : memref<128xi32, #tpu.memory_space<vmem>>) semaphore(%run_scoped3A : memref<!tpu.dma_semaphore, #tpu.memory_space<semaphore_mem>>) {add = true}
          %dma_wait3A_75 = arith.constant 0 : i32
          %dma_wait3A_76 = arith.constant 0 : i32
          %dma_wait3A_77 = tpu.memref_slice %arg13[%dma_wait3A_75, %dma_wait3A_76] : memref<10240x128xf32, #tpu.memory_space<vmem_shared>> -> memref<10240x128xf32, #tpu.memory_space<vmem_shared>>
          tpu.wait_indirect_dma semaphore(%run_scoped3A : memref<!tpu.dma_semaphore, #tpu.memory_space<semaphore_mem>>) src(%arg11 : memref<128x128xf32, #tpu.memory_space<vmem>>) dst(%dma_wait3A_77 : memref<10240x128xf32, #tpu.memory_space<vmem_shared>>)
          tpu.yield
        }) : () -> ()
        %mul3A_48 = arith.constant 2 : i32
        %mul3A_49 = arith.muli %scan3A_26, %mul3A_48 : i32
        %add3A_50 = arith.constant 1 : i32
        %add3A_51 = arith.addi %mul3A_49, %add3A_50 : i32
        %mul3A_52 = arith.constant 128 : i32
        %mul3A_53 = arith.muli %add3A_51, %mul3A_52 : i32
        %dma_wait3A_54 = tpu.memref_slice %arg8[%mul3A_53] : memref<10240xi32, #tpu.memory_space<vmem>> -> memref<128xi32, #tpu.memory_space<vmem>>
        %dma_wait3A_55 = arith.constant 0 : i32
        %dma_wait3A_56 = arith.constant 0 : i32
        %dma_wait3A_57 = tpu.memref_slice %arg2[%dma_wait3A_55, %dma_wait3A_56] : memref<10240x128xf32, #tpu.memory_space<hbm>> -> memref<10240x128xf32, #tpu.memory_space<hbm>>
        tpu.wait_indirect_dma semaphore(%arg15 : memref<!tpu.dma_semaphore, #tpu.memory_space<semaphore_mem>>) src(%dma_wait3A_57 : memref<10240x128xf32, #tpu.memory_space<hbm>>) dst(%arg12 : memref<128x128xf32, #tpu.memory_space<vmem>>)
        %dma_wait3A_58 = arith.constant 0 : i32
        %dma_wait3A_59 = tpu.memref_slice %arg5[%arg1, %add3A_51, %dma_wait3A_58] : memref<16x80x128xi32, #tpu.memory_space<hbm>> -> memref<1x1x128xi32, #tpu.memory_space<hbm>>
        %dma_wait3A_60 = tpu.memref_squeeze %dma_wait3A_59 : memref<1x1x128xi32, #tpu.memory_space<hbm>> -> memref<128xi32, #tpu.memory_space<hbm>>
        %dma_wait3A_61 = arith.constant 0 : i32
        %dma_wait3A_62 = tpu.memref_slice %arg5[%arg1, %add3A_51, %dma_wait3A_61] : memref<16x80x128xi32, #tpu.memory_space<hbm>> -> memref<1x1x128xi32, #tpu.memory_space<hbm>>
        %dma_wait3A_63 = tpu.memref_squeeze %dma_wait3A_62 : memref<1x1x128xi32, #tpu.memory_space<hbm>> -> memref<128xi32, #tpu.memory_space<hbm>>
        tpu.wait_dma2 semaphore(%arg17 : memref<!tpu.dma_semaphore, #tpu.memory_space<semaphore_mem>>) src(%dma_wait3A_63 : memref<128xi32, #tpu.memory_space<hbm>>) dst(%arg10 : memref<128xi32, #tpu.memory_space<vmem>>)
        %add3A_64 = arith.constant 1 : i32
        %add3A_65 = arith.addi %add3A_51, %add3A_64 : i32
        %lt3A_66 = arith.constant 80 : i32
        %lt3A_67 = arith.cmpi slt, %add3A_65, %lt3A_66 : i32
        %convert_element_type3A_68 = arith.extui %lt3A_67 : i1 to i32
        %cond3A_69 = arith.constant 0 : i32
        %cond3A_70 = arith.cmpi ne, %convert_element_type3A_68, %cond3A_69 : i32
        scf.if %cond3A_70 {
          %add3A_72 = arith.constant 1 : i32
          %add3A_73 = arith.addi %add3A_51, %add3A_72 : i32
          %mul3A_74 = arith.constant 128 : i32
          %mul3A_75 = arith.muli %add3A_73, %mul3A_74 : i32
          %dma_start3A_76 = tpu.memref_slice %arg8[%mul3A_75] : memref<10240xi32, #tpu.memory_space<vmem>> -> memref<128xi32, #tpu.memory_space<vmem>>
          %dma_start3A_77 = arith.constant 0 : i32
          %dma_start3A_78 = arith.constant 0 : i32
          %dma_start3A_79 = tpu.memref_slice %arg2[%dma_start3A_77, %dma_start3A_78] : memref<10240x128xf32, #tpu.memory_space<hbm>> -> memref<10240x128xf32, #tpu.memory_space<hbm>>
          tpu.enqueue_indirect_dma source(%dma_start3A_79 : memref<10240x128xf32, #tpu.memory_space<hbm>>) target(%arg11 : memref<128x128xf32, #tpu.memory_space<vmem>>) offsets(%dma_start3A_76 : memref<128xi32, #tpu.memory_space<vmem>>) semaphore(%arg14 : memref<!tpu.dma_semaphore, #tpu.memory_space<semaphore_mem>>)
          %add3A_80 = arith.constant 1 : i32
          %add3A_81 = arith.addi %add3A_51, %add3A_80 : i32
          %dma_start3A_82 = arith.constant 0 : i32
          %dma_start3A_83 = tpu.memref_slice %arg5[%arg1, %add3A_81, %dma_start3A_82] : memref<16x80x128xi32, #tpu.memory_space<hbm>> -> memref<1x1x128xi32, #tpu.memory_space<hbm>>
          %dma_start3A_84 = tpu.memref_squeeze %dma_start3A_83 : memref<1x1x128xi32, #tpu.memory_space<hbm>> -> memref<128xi32, #tpu.memory_space<hbm>>
          %dma_start3A_85 = arith.constant 0 : i32
          %dma_start3A_86 = tpu.memref_slice %arg5[%arg1, %add3A_81, %dma_start3A_85] : memref<16x80x128xi32, #tpu.memory_space<hbm>> -> memref<1x1x128xi32, #tpu.memory_space<hbm>>
          %dma_start3A_87 = tpu.memref_squeeze %dma_start3A_86 : memref<1x1x128xi32, #tpu.memory_space<hbm>> -> memref<128xi32, #tpu.memory_space<hbm>>
          tpu.enqueue_dma source(%dma_start3A_87 : memref<128xi32, #tpu.memory_space<hbm>>) target(%arg9 : memref<128xi32, #tpu.memory_space<vmem>>) target_semaphore(%arg16 : memref<!tpu.dma_semaphore, #tpu.memory_space<semaphore_mem>>)
        } else {
        }
        "tpu.region"() ({
          %run_scoped3A = tpu.sem_alloc : memref<!tpu.dma_semaphore, #tpu.memory_space<semaphore_mem>>
          %dma_start3A_72 = arith.constant 0 : i32
          %dma_start3A_73 = arith.constant 0 : i32
          %dma_start3A_74 = tpu.memref_slice %arg13[%dma_start3A_72, %dma_start3A_73] : memref<10240x128xf32, #tpu.memory_space<vmem_shared>> -> memref<10240x128xf32, #tpu.memory_space<vmem_shared>>
          tpu.enqueue_indirect_dma source(%arg12 : memref<128x128xf32, #tpu.memory_space<vmem>>) target(%dma_start3A_74 : memref<10240x128xf32, #tpu.memory_space<vmem_shared>>) offsets(%arg10 : memref<128xi32, #tpu.memory_space<vmem>>) semaphore(%run_scoped3A : memref<!tpu.dma_semaphore, #tpu.memory_space<semaphore_mem>>) {add = true}
          %dma_wait3A_75 = arith.constant 0 : i32
          %dma_wait3A_76 = arith.constant 0 : i32
          %dma_wait3A_77 = tpu.memref_slice %arg13[%dma_wait3A_75, %dma_wait3A_76] : memref<10240x128xf32, #tpu.memory_space<vmem_shared>> -> memref<10240x128xf32, #tpu.memory_space<vmem_shared>>
          tpu.wait_indirect_dma semaphore(%run_scoped3A : memref<!tpu.dma_semaphore, #tpu.memory_space<semaphore_mem>>) src(%arg12 : memref<128x128xf32, #tpu.memory_space<vmem>>) dst(%dma_wait3A_77 : memref<10240x128xf32, #tpu.memory_space<vmem_shared>>)
          tpu.yield
        }) : () -> ()
        %scan3A_71 = arith.constant 0 : i32
        scf.yield %scan3A_71 : i32
      }
      %scan3A_24 = arith.constant 40 : i32
      %barrier3A_25 = arith.constant 0 : index
      tpu.barrier barrier_id(%barrier3A_25)
      "tpu.region"() ({
        %run_scoped3A = tpu.sem_alloc : memref<!tpu.dma_semaphore, #tpu.memory_space<semaphore_mem>>
        %dma_start3A_26 = arith.constant 0 : i32
        %dma_start3A_27 = tpu.memref_slice %arg6[%mul3A_0, %dma_start3A_26] : memref<10240x128xf32, #tpu.memory_space<hbm>> -> memref<640x128xf32, #tpu.memory_space<hbm>>
        %dma_start3A_28 = arith.constant 0 : i32
        %dma_start3A_29 = tpu.memref_slice %arg13[%mul3A_0, %dma_start3A_28] : memref<10240x128xf32, #tpu.memory_space<vmem_shared>> -> memref<640x128xf32, #tpu.memory_space<vmem_shared>>
        tpu.enqueue_dma source(%dma_start3A_29 : memref<640x128xf32, #tpu.memory_space<vmem_shared>>) target(%dma_start3A_27 : memref<640x128xf32, #tpu.memory_space<hbm>>) target_semaphore(%run_scoped3A : memref<!tpu.dma_semaphore, #tpu.memory_space<semaphore_mem>>)
        %dma_wait3A = arith.constant 0 : i32
        %dma_wait3A_30 = tpu.memref_slice %arg6[%mul3A_0, %dma_wait3A] : memref<10240x128xf32, #tpu.memory_space<hbm>> -> memref<640x128xf32, #tpu.memory_space<hbm>>
        %dma_wait3A_31 = arith.constant 0 : i32
        %dma_wait3A_32 = tpu.memref_slice %arg13[%mul3A_0, %dma_wait3A_31] : memref<10240x128xf32, #tpu.memory_space<vmem_shared>> -> memref<640x128xf32, #tpu.memory_space<vmem_shared>>
        tpu.wait_dma2 semaphore(%run_scoped3A : memref<!tpu.dma_semaphore, #tpu.memory_space<semaphore_mem>>) src(%dma_wait3A_32 : memref<640x128xf32, #tpu.memory_space<vmem_shared>>) dst(%dma_wait3A_30 : memref<640x128xf32, #tpu.memory_space<hbm>>)
        tpu.yield
      }) : () -> ()
    } else {
    }
    %eq3A_3 = arith.constant 1 : i32
    %eq3A_4 = arith.cmpi eq, %arg0, %eq3A_3 : i32
    %convert_element_type3A_5 = arith.extui %eq3A_4 : i1 to i32
    %cond3A_6 = arith.constant 0 : i32
    %cond3A_7 = arith.cmpi ne, %convert_element_type3A_5, %cond3A_6 : i32
    scf.if %cond3A_7 {
      "tpu.region"() ({
        %run_scoped3A = tpu.sem_alloc : memref<!tpu.dma_semaphore, #tpu.memory_space<semaphore_mem>>
        %dma_start3A_26 = arith.constant 0 : i32
        %dma_start3A_27 = tpu.memref_slice %arg13[%mul3A_0, %dma_start3A_26] : memref<10240x128xf32, #tpu.memory_space<vmem_shared>> -> memref<640x128xf32, #tpu.memory_space<vmem_shared>>
        %dma_start3A_28 = arith.constant 0 : i32
        %dma_start3A_29 = tpu.memref_slice %arg3[%mul3A_0, %dma_start3A_28] : memref<10240x128xf32, #tpu.memory_space<hbm>> -> memref<640x128xf32, #tpu.memory_space<hbm>>
        tpu.enqueue_dma source(%dma_start3A_29 : memref<640x128xf32, #tpu.memory_space<hbm>>) target(%dma_start3A_27 : memref<640x128xf32, #tpu.memory_space<vmem_shared>>) target_semaphore(%run_scoped3A : memref<!tpu.dma_semaphore, #tpu.memory_space<semaphore_mem>>)
        %dma_wait3A = arith.constant 0 : i32
        %dma_wait3A_30 = tpu.memref_slice %arg13[%mul3A_0, %dma_wait3A] : memref<10240x128xf32, #tpu.memory_space<vmem_shared>> -> memref<640x128xf32, #tpu.memory_space<vmem_shared>>
        %dma_wait3A_31 = arith.constant 0 : i32
        %dma_wait3A_32 = tpu.memref_slice %arg3[%mul3A_0, %dma_wait3A_31] : memref<10240x128xf32, #tpu.memory_space<hbm>> -> memref<640x128xf32, #tpu.memory_space<hbm>>
        tpu.wait_dma2 semaphore(%run_scoped3A : memref<!tpu.dma_semaphore, #tpu.memory_space<semaphore_mem>>) src(%dma_wait3A_32 : memref<640x128xf32, #tpu.memory_space<hbm>>) dst(%dma_wait3A_30 : memref<640x128xf32, #tpu.memory_space<vmem_shared>>)
        tpu.yield
      }) : () -> ()
      %barrier3A = arith.constant 0 : index
      tpu.barrier barrier_id(%barrier3A)
      %dma_start3A = arith.constant 0 : i32
      %dma_start3A_8 = tpu.memref_slice %arg8[%dma_start3A] : memref<10240xi32, #tpu.memory_space<vmem>> -> memref<128xi32, #tpu.memory_space<vmem>>
      %dma_start3A_9 = arith.constant 0 : i32
      %dma_start3A_10 = arith.constant 0 : i32
      %dma_start3A_11 = tpu.memref_slice %arg3[%dma_start3A_9, %dma_start3A_10] : memref<10240x128xf32, #tpu.memory_space<hbm>> -> memref<10240x128xf32, #tpu.memory_space<hbm>>
      tpu.enqueue_indirect_dma source(%dma_start3A_11 : memref<10240x128xf32, #tpu.memory_space<hbm>>) target(%arg11 : memref<128x128xf32, #tpu.memory_space<vmem>>) offsets(%dma_start3A_8 : memref<128xi32, #tpu.memory_space<vmem>>) semaphore(%arg14 : memref<!tpu.dma_semaphore, #tpu.memory_space<semaphore_mem>>)
      %dma_start3A_12 = arith.constant 0 : i32
      %dma_start3A_13 = arith.constant 0 : i32
      %dma_start3A_14 = tpu.memref_slice %arg5[%arg1, %dma_start3A_12, %dma_start3A_13] : memref<16x80x128xi32, #tpu.memory_space<hbm>> -> memref<1x1x128xi32, #tpu.memory_space<hbm>>
      %dma_start3A_15 = tpu.memref_squeeze %dma_start3A_14 : memref<1x1x128xi32, #tpu.memory_space<hbm>> -> memref<128xi32, #tpu.memory_space<hbm>>
      %dma_start3A_16 = arith.constant 0 : i32
      %dma_start3A_17 = tpu.memref_slice %arg5[%arg1, %dma_start3A_12, %dma_start3A_16] : memref<16x80x128xi32, #tpu.memory_space<hbm>> -> memref<1x1x128xi32, #tpu.memory_space<hbm>>
      %dma_start3A_18 = tpu.memref_squeeze %dma_start3A_17 : memref<1x1x128xi32, #tpu.memory_space<hbm>> -> memref<128xi32, #tpu.memory_space<hbm>>
      tpu.enqueue_dma source(%dma_start3A_18 : memref<128xi32, #tpu.memory_space<hbm>>) target(%arg9 : memref<128xi32, #tpu.memory_space<vmem>>) target_semaphore(%arg16 : memref<!tpu.dma_semaphore, #tpu.memory_space<semaphore_mem>>)
      %scan3A = arith.constant 0 : i32
      %scan3A_19 = arith.constant 0 : i32
      %scan3A_20 = arith.constant 40 : i32
      %scan3A_21 = arith.addi %scan3A_19, %scan3A_20 : i32
      %scan3A_22 = arith.constant 1 : i32
      %scan3A_23 = scf.for %scan3A_26 = %scan3A_19 to %scan3A_21 step %scan3A_22 iter_args(%scan3A_27 = %scan3A) -> (i32)  : i32 {
        %mul3A_28 = arith.constant 2 : i32
        %mul3A_29 = arith.muli %scan3A_26, %mul3A_28 : i32
        %add3A = arith.constant 0 : i32
        %add3A_30 = arith.addi %mul3A_29, %add3A : i32
        %mul3A_31 = arith.constant 128 : i32
        %mul3A_32 = arith.muli %add3A_30, %mul3A_31 : i32
        %dma_wait3A = tpu.memref_slice %arg8[%mul3A_32] : memref<10240xi32, #tpu.memory_space<vmem>> -> memref<128xi32, #tpu.memory_space<vmem>>
        %dma_wait3A_33 = arith.constant 0 : i32
        %dma_wait3A_34 = arith.constant 0 : i32
        %dma_wait3A_35 = tpu.memref_slice %arg3[%dma_wait3A_33, %dma_wait3A_34] : memref<10240x128xf32, #tpu.memory_space<hbm>> -> memref<10240x128xf32, #tpu.memory_space<hbm>>
        tpu.wait_indirect_dma semaphore(%arg14 : memref<!tpu.dma_semaphore, #tpu.memory_space<semaphore_mem>>) src(%dma_wait3A_35 : memref<10240x128xf32, #tpu.memory_space<hbm>>) dst(%arg11 : memref<128x128xf32, #tpu.memory_space<vmem>>)
        %dma_wait3A_36 = arith.constant 0 : i32
        %dma_wait3A_37 = tpu.memref_slice %arg5[%arg1, %add3A_30, %dma_wait3A_36] : memref<16x80x128xi32, #tpu.memory_space<hbm>> -> memref<1x1x128xi32, #tpu.memory_space<hbm>>
        %dma_wait3A_38 = tpu.memref_squeeze %dma_wait3A_37 : memref<1x1x128xi32, #tpu.memory_space<hbm>> -> memref<128xi32, #tpu.memory_space<hbm>>
        %dma_wait3A_39 = arith.constant 0 : i32
        %dma_wait3A_40 = tpu.memref_slice %arg5[%arg1, %add3A_30, %dma_wait3A_39] : memref<16x80x128xi32, #tpu.memory_space<hbm>> -> memref<1x1x128xi32, #tpu.memory_space<hbm>>
        %dma_wait3A_41 = tpu.memref_squeeze %dma_wait3A_40 : memref<1x1x128xi32, #tpu.memory_space<hbm>> -> memref<128xi32, #tpu.memory_space<hbm>>
        tpu.wait_dma2 semaphore(%arg16 : memref<!tpu.dma_semaphore, #tpu.memory_space<semaphore_mem>>) src(%dma_wait3A_41 : memref<128xi32, #tpu.memory_space<hbm>>) dst(%arg9 : memref<128xi32, #tpu.memory_space<vmem>>)
        %add3A_42 = arith.constant 1 : i32
        %add3A_43 = arith.addi %add3A_30, %add3A_42 : i32
        %lt3A = arith.constant 80 : i32
        %lt3A_44 = arith.cmpi slt, %add3A_43, %lt3A : i32
        %convert_element_type3A_45 = arith.extui %lt3A_44 : i1 to i32
        %cond3A_46 = arith.constant 0 : i32
        %cond3A_47 = arith.cmpi ne, %convert_element_type3A_45, %cond3A_46 : i32
        scf.if %cond3A_47 {
          %add3A_72 = arith.constant 1 : i32
          %add3A_73 = arith.addi %add3A_30, %add3A_72 : i32
          %mul3A_74 = arith.constant 128 : i32
          %mul3A_75 = arith.muli %add3A_73, %mul3A_74 : i32
          %dma_start3A_76 = tpu.memref_slice %arg8[%mul3A_75] : memref<10240xi32, #tpu.memory_space<vmem>> -> memref<128xi32, #tpu.memory_space<vmem>>
          %dma_start3A_77 = arith.constant 0 : i32
          %dma_start3A_78 = arith.constant 0 : i32
          %dma_start3A_79 = tpu.memref_slice %arg3[%dma_start3A_77, %dma_start3A_78] : memref<10240x128xf32, #tpu.memory_space<hbm>> -> memref<10240x128xf32, #tpu.memory_space<hbm>>
          tpu.enqueue_indirect_dma source(%dma_start3A_79 : memref<10240x128xf32, #tpu.memory_space<hbm>>) target(%arg12 : memref<128x128xf32, #tpu.memory_space<vmem>>) offsets(%dma_start3A_76 : memref<128xi32, #tpu.memory_space<vmem>>) semaphore(%arg15 : memref<!tpu.dma_semaphore, #tpu.memory_space<semaphore_mem>>)
          %add3A_80 = arith.constant 1 : i32
          %add3A_81 = arith.addi %add3A_30, %add3A_80 : i32
          %dma_start3A_82 = arith.constant 0 : i32
          %dma_start3A_83 = tpu.memref_slice %arg5[%arg1, %add3A_81, %dma_start3A_82] : memref<16x80x128xi32, #tpu.memory_space<hbm>> -> memref<1x1x128xi32, #tpu.memory_space<hbm>>
          %dma_start3A_84 = tpu.memref_squeeze %dma_start3A_83 : memref<1x1x128xi32, #tpu.memory_space<hbm>> -> memref<128xi32, #tpu.memory_space<hbm>>
          %dma_start3A_85 = arith.constant 0 : i32
          %dma_start3A_86 = tpu.memref_slice %arg5[%arg1, %add3A_81, %dma_start3A_85] : memref<16x80x128xi32, #tpu.memory_space<hbm>> -> memref<1x1x128xi32, #tpu.memory_space<hbm>>
          %dma_start3A_87 = tpu.memref_squeeze %dma_start3A_86 : memref<1x1x128xi32, #tpu.memory_space<hbm>> -> memref<128xi32, #tpu.memory_space<hbm>>
          tpu.enqueue_dma source(%dma_start3A_87 : memref<128xi32, #tpu.memory_space<hbm>>) target(%arg10 : memref<128xi32, #tpu.memory_space<vmem>>) target_semaphore(%arg17 : memref<!tpu.dma_semaphore, #tpu.memory_space<semaphore_mem>>)
        } else {
        }
        "tpu.region"() ({
          %run_scoped3A = tpu.sem_alloc : memref<!tpu.dma_semaphore, #tpu.memory_space<semaphore_mem>>
          %dma_start3A_72 = arith.constant 0 : i32
          %dma_start3A_73 = arith.constant 0 : i32
          %dma_start3A_74 = tpu.memref_slice %arg13[%dma_start3A_72, %dma_start3A_73] : memref<10240x128xf32, #tpu.memory_space<vmem_shared>> -> memref<10240x128xf32, #tpu.memory_space<vmem_shared>>
          tpu.enqueue_indirect_dma source(%arg11 : memref<128x128xf32, #tpu.memory_space<vmem>>) target(%dma_start3A_74 : memref<10240x128xf32, #tpu.memory_space<vmem_shared>>) offsets(%arg9 : memref<128xi32, #tpu.memory_space<vmem>>) semaphore(%run_scoped3A : memref<!tpu.dma_semaphore, #tpu.memory_space<semaphore_mem>>) {add = true}
          %dma_wait3A_75 = arith.constant 0 : i32
          %dma_wait3A_76 = arith.constant 0 : i32
          %dma_wait3A_77 = tpu.memref_slice %arg13[%dma_wait3A_75, %dma_wait3A_76] : memref<10240x128xf32, #tpu.memory_space<vmem_shared>> -> memref<10240x128xf32, #tpu.memory_space<vmem_shared>>
          tpu.wait_indirect_dma semaphore(%run_scoped3A : memref<!tpu.dma_semaphore, #tpu.memory_space<semaphore_mem>>) src(%arg11 : memref<128x128xf32, #tpu.memory_space<vmem>>) dst(%dma_wait3A_77 : memref<10240x128xf32, #tpu.memory_space<vmem_shared>>)
          tpu.yield
        }) : () -> ()
        %mul3A_48 = arith.constant 2 : i32
        %mul3A_49 = arith.muli %scan3A_26, %mul3A_48 : i32
        %add3A_50 = arith.constant 1 : i32
        %add3A_51 = arith.addi %mul3A_49, %add3A_50 : i32
        %mul3A_52 = arith.constant 128 : i32
        %mul3A_53 = arith.muli %add3A_51, %mul3A_52 : i32
        %dma_wait3A_54 = tpu.memref_slice %arg8[%mul3A_53] : memref<10240xi32, #tpu.memory_space<vmem>> -> memref<128xi32, #tpu.memory_space<vmem>>
        %dma_wait3A_55 = arith.constant 0 : i32
        %dma_wait3A_56 = arith.constant 0 : i32
        %dma_wait3A_57 = tpu.memref_slice %arg3[%dma_wait3A_55, %dma_wait3A_56] : memref<10240x128xf32, #tpu.memory_space<hbm>> -> memref<10240x128xf32, #tpu.memory_space<hbm>>
        tpu.wait_indirect_dma semaphore(%arg15 : memref<!tpu.dma_semaphore, #tpu.memory_space<semaphore_mem>>) src(%dma_wait3A_57 : memref<10240x128xf32, #tpu.memory_space<hbm>>) dst(%arg12 : memref<128x128xf32, #tpu.memory_space<vmem>>)
        %dma_wait3A_58 = arith.constant 0 : i32
        %dma_wait3A_59 = tpu.memref_slice %arg5[%arg1, %add3A_51, %dma_wait3A_58] : memref<16x80x128xi32, #tpu.memory_space<hbm>> -> memref<1x1x128xi32, #tpu.memory_space<hbm>>
        %dma_wait3A_60 = tpu.memref_squeeze %dma_wait3A_59 : memref<1x1x128xi32, #tpu.memory_space<hbm>> -> memref<128xi32, #tpu.memory_space<hbm>>
        %dma_wait3A_61 = arith.constant 0 : i32
        %dma_wait3A_62 = tpu.memref_slice %arg5[%arg1, %add3A_51, %dma_wait3A_61] : memref<16x80x128xi32, #tpu.memory_space<hbm>> -> memref<1x1x128xi32, #tpu.memory_space<hbm>>
        %dma_wait3A_63 = tpu.memref_squeeze %dma_wait3A_62 : memref<1x1x128xi32, #tpu.memory_space<hbm>> -> memref<128xi32, #tpu.memory_space<hbm>>
        tpu.wait_dma2 semaphore(%arg17 : memref<!tpu.dma_semaphore, #tpu.memory_space<semaphore_mem>>) src(%dma_wait3A_63 : memref<128xi32, #tpu.memory_space<hbm>>) dst(%arg10 : memref<128xi32, #tpu.memory_space<vmem>>)
        %add3A_64 = arith.constant 1 : i32
        %add3A_65 = arith.addi %add3A_51, %add3A_64 : i32
        %lt3A_66 = arith.constant 80 : i32
        %lt3A_67 = arith.cmpi slt, %add3A_65, %lt3A_66 : i32
        %convert_element_type3A_68 = arith.extui %lt3A_67 : i1 to i32
        %cond3A_69 = arith.constant 0 : i32
        %cond3A_70 = arith.cmpi ne, %convert_element_type3A_68, %cond3A_69 : i32
        scf.if %cond3A_70 {
          %add3A_72 = arith.constant 1 : i32
          %add3A_73 = arith.addi %add3A_51, %add3A_72 : i32
          %mul3A_74 = arith.constant 128 : i32
          %mul3A_75 = arith.muli %add3A_73, %mul3A_74 : i32
          %dma_start3A_76 = tpu.memref_slice %arg8[%mul3A_75] : memref<10240xi32, #tpu.memory_space<vmem>> -> memref<128xi32, #tpu.memory_space<vmem>>
          %dma_start3A_77 = arith.constant 0 : i32
          %dma_start3A_78 = arith.constant 0 : i32
          %dma_start3A_79 = tpu.memref_slice %arg3[%dma_start3A_77, %dma_start3A_78] : memref<10240x128xf32, #tpu.memory_space<hbm>> -> memref<10240x128xf32, #tpu.memory_space<hbm>>
          tpu.enqueue_indirect_dma source(%dma_start3A_79 : memref<10240x128xf32, #tpu.memory_space<hbm>>) target(%arg11 : memref<128x128xf32, #tpu.memory_space<vmem>>) offsets(%dma_start3A_76 : memref<128xi32, #tpu.memory_space<vmem>>) semaphore(%arg14 : memref<!tpu.dma_semaphore, #tpu.memory_space<semaphore_mem>>)
          %add3A_80 = arith.constant 1 : i32
          %add3A_81 = arith.addi %add3A_51, %add3A_80 : i32
          %dma_start3A_82 = arith.constant 0 : i32
          %dma_start3A_83 = tpu.memref_slice %arg5[%arg1, %add3A_81, %dma_start3A_82] : memref<16x80x128xi32, #tpu.memory_space<hbm>> -> memref<1x1x128xi32, #tpu.memory_space<hbm>>
          %dma_start3A_84 = tpu.memref_squeeze %dma_start3A_83 : memref<1x1x128xi32, #tpu.memory_space<hbm>> -> memref<128xi32, #tpu.memory_space<hbm>>
          %dma_start3A_85 = arith.constant 0 : i32
          %dma_start3A_86 = tpu.memref_slice %arg5[%arg1, %add3A_81, %dma_start3A_85] : memref<16x80x128xi32, #tpu.memory_space<hbm>> -> memref<1x1x128xi32, #tpu.memory_space<hbm>>
          %dma_start3A_87 = tpu.memref_squeeze %dma_start3A_86 : memref<1x1x128xi32, #tpu.memory_space<hbm>> -> memref<128xi32, #tpu.memory_space<hbm>>
          tpu.enqueue_dma source(%dma_start3A_87 : memref<128xi32, #tpu.memory_space<hbm>>) target(%arg9 : memref<128xi32, #tpu.memory_space<vmem>>) target_semaphore(%arg16 : memref<!tpu.dma_semaphore, #tpu.memory_space<semaphore_mem>>)
        } else {
        }
        "tpu.region"() ({
          %run_scoped3A = tpu.sem_alloc : memref<!tpu.dma_semaphore, #tpu.memory_space<semaphore_mem>>
          %dma_start3A_72 = arith.constant 0 : i32
          %dma_start3A_73 = arith.constant 0 : i32
          %dma_start3A_74 = tpu.memref_slice %arg13[%dma_start3A_72, %dma_start3A_73] : memref<10240x128xf32, #tpu.memory_space<vmem_shared>> -> memref<10240x128xf32, #tpu.memory_space<vmem_shared>>
          tpu.enqueue_indirect_dma source(%arg12 : memref<128x128xf32, #tpu.memory_space<vmem>>) target(%dma_start3A_74 : memref<10240x128xf32, #tpu.memory_space<vmem_shared>>) offsets(%arg10 : memref<128xi32, #tpu.memory_space<vmem>>) semaphore(%run_scoped3A : memref<!tpu.dma_semaphore, #tpu.memory_space<semaphore_mem>>) {add = true}
          %dma_wait3A_75 = arith.constant 0 : i32
          %dma_wait3A_76 = arith.constant 0 : i32
          %dma_wait3A_77 = tpu.memref_slice %arg13[%dma_wait3A_75, %dma_wait3A_76] : memref<10240x128xf32, #tpu.memory_space<vmem_shared>> -> memref<10240x128xf32, #tpu.memory_space<vmem_shared>>
          tpu.wait_indirect_dma semaphore(%run_scoped3A : memref<!tpu.dma_semaphore, #tpu.memory_space<semaphore_mem>>) src(%arg12 : memref<128x128xf32, #tpu.memory_space<vmem>>) dst(%dma_wait3A_77 : memref<10240x128xf32, #tpu.memory_space<vmem_shared>>)
          tpu.yield
        }) : () -> ()
        %scan3A_71 = arith.constant 0 : i32
        scf.yield %scan3A_71 : i32
      }
      %scan3A_24 = arith.constant 40 : i32
      %barrier3A_25 = arith.constant 0 : index
      tpu.barrier barrier_id(%barrier3A_25)
      "tpu.region"() ({
        %run_scoped3A = tpu.sem_alloc : memref<!tpu.dma_semaphore, #tpu.memory_space<semaphore_mem>>
        %dma_start3A_26 = arith.constant 0 : i32
        %dma_start3A_27 = tpu.memref_slice %arg7[%mul3A_0, %dma_start3A_26] : memref<10240x128xf32, #tpu.memory_space<hbm>> -> memref<640x128xf32, #tpu.memory_space<hbm>>
        %dma_start3A_28 = arith.constant 0 : i32
        %dma_start3A_29 = tpu.memref_slice %arg13[%mul3A_0, %dma_start3A_28] : memref<10240x128xf32, #tpu.memory_space<vmem_shared>> -> memref<640x128xf32, #tpu.memory_space<vmem_shared>>
        tpu.enqueue_dma source(%dma_start3A_29 : memref<640x128xf32, #tpu.memory_space<vmem_shared>>) target(%dma_start3A_27 : memref<640x128xf32, #tpu.memory_space<hbm>>) target_semaphore(%run_scoped3A : memref<!tpu.dma_semaphore, #tpu.memory_space<semaphore_mem>>)
        %dma_wait3A = arith.constant 0 : i32
        %dma_wait3A_30 = tpu.memref_slice %arg7[%mul3A_0, %dma_wait3A] : memref<10240x128xf32, #tpu.memory_space<hbm>> -> memref<640x128xf32, #tpu.memory_space<hbm>>
        %dma_wait3A_31 = arith.constant 0 : i32
        %dma_wait3A_32 = tpu.memref_slice %arg13[%mul3A_0, %dma_wait3A_31] : memref<10240x128xf32, #tpu.memory_space<vmem_shared>> -> memref<640x128xf32, #tpu.memory_space<vmem_shared>>
        tpu.wait_dma2 semaphore(%run_scoped3A : memref<!tpu.dma_semaphore, #tpu.memory_space<semaphore_mem>>) src(%dma_wait3A_32 : memref<640x128xf32, #tpu.memory_space<vmem_shared>>) dst(%dma_wait3A_30 : memref<640x128xf32, #tpu.memory_space<hbm>>)
        tpu.yield
      }) : () -> ()
    } else {
    }
    return
  }
}

module attributes {stable_mosaic.version = 14 : i64} {
  func.func @_scale_body(%arg0: i32, %arg1: memref<1000x256xf32, #tpu.memory_space<vmem>>, %arg2: memref<1000x1xf32, #tpu.memory_space<vmem>>, %arg3: memref<1000x128xf32, #tpu.memory_space<vmem>>, %arg4: memref<1000x128xf32, #tpu.memory_space<vmem>>, %arg5: memref<1000x1xf32, #tpu.memory_space<vmem>>) attributes {dimension_semantics = [#tpu.dimension_semantics<arbitrary>], iteration_bounds = array<i64: 10>, scalar_prefetch = 0 : i64, scratch_operands = 0 : i64, tpu.core_type = #tpu.core_type<tc>, window_params = [{transform_indices = @transform_0, window_bounds = array<i64: 1000, 256>}, {transform_indices = @transform_1, window_bounds = array<i64: 1000, 1>}, {transform_indices = @transform_2, window_bounds = array<i64: 1000, 128>}, {transform_indices = @transform_3, window_bounds = array<i64: 1000, 128>}, {transform_indices = @transform_4, window_bounds = array<i64: 1000, 1>}]} {
    %get3A = arith.constant 0 : index
    %get3A_0 = arith.constant 0 : index
    %get3A_1 = vector.load %arg2[%get3A, %get3A_0] : memref<1000x1xf32, #tpu.memory_space<vmem>>, vector<1000x1xf32>
    %rsqrt3A = math.rsqrt %get3A_1 : vector<1000x1xf32>
    %swap3A = arith.constant 0 : index
    %swap3A_2 = arith.constant 0 : index
    %swap3A_3 = vector.load %arg5[%swap3A, %swap3A_2] : memref<1000x1xf32, #tpu.memory_space<vmem>>, vector<1000x1xf32>
    tpu.vector_store %arg5[%swap3A, %swap3A_2], %rsqrt3A {strides = array<i32>} : memref<1000x1xf32, #tpu.memory_space<vmem>>, vector<1000x1xf32>,
    %get3A_4 = arith.constant 0 : index
    %get3A_5 = arith.constant 0 : index
    %get3A_6 = vector.load %arg1[%get3A_4, %get3A_5] : memref<1000x256xf32, #tpu.memory_space<vmem>>, vector<1000x128xf32>
    %mul3A = vector.broadcast %rsqrt3A : vector<1000x1xf32> to vector<1000x128xf32>
    %mul3A_7 = arith.mulf %get3A_6, %mul3A : vector<1000x128xf32>
    %swap3A_8 = arith.constant 0 : index
    %swap3A_9 = arith.constant 0 : index
    %swap3A_10 = vector.load %arg3[%swap3A_8, %swap3A_9] : memref<1000x128xf32, #tpu.memory_space<vmem>>, vector<1000x128xf32>
    tpu.vector_store %arg3[%swap3A_8, %swap3A_9], %mul3A_7 {strides = array<i32>} : memref<1000x128xf32, #tpu.memory_space<vmem>>, vector<1000x128xf32>,
    %get3A_11 = arith.constant 0 : index
    %get3A_12 = arith.constant 128 : index
    %get3A_13 = vector.load %arg1[%get3A_11, %get3A_12] : memref<1000x256xf32, #tpu.memory_space<vmem>>, vector<1000x128xf32>
    %mul3A_14 = vector.broadcast %rsqrt3A : vector<1000x1xf32> to vector<1000x128xf32>
    %mul3A_15 = arith.mulf %get3A_13, %mul3A_14 : vector<1000x128xf32>
    %swap3A_16 = arith.constant 0 : index
    %swap3A_17 = arith.constant 0 : index
    %swap3A_18 = vector.load %arg4[%swap3A_16, %swap3A_17] : memref<1000x128xf32, #tpu.memory_space<vmem>>, vector<1000x128xf32>
    tpu.vector_store %arg4[%swap3A_16, %swap3A_17], %mul3A_15 {strides = array<i32>} : memref<1000x128xf32, #tpu.memory_space<vmem>>, vector<1000x128xf32>,
    return
  }
  func.func @transform_0(%arg0: i32) -> (i32, i32) {
    %c0_i32 = arith.constant 0 : i32
    %c0_i32_0 = arith.constant 0 : i32
    return %arg0, %c0_i32 : i32, i32
  }
  func.func @transform_1(%arg0: i32) -> (i32, i32) {
    %c0_i32 = arith.constant 0 : i32
    %c0_i32_0 = arith.constant 0 : i32
    return %arg0, %c0_i32 : i32, i32
  }
  func.func @transform_2(%arg0: i32) -> (i32, i32) {
    %c0_i32 = arith.constant 0 : i32
    %c0_i32_0 = arith.constant 0 : i32
    return %arg0, %c0_i32 : i32, i32
  }
  func.func @transform_3(%arg0: i32) -> (i32, i32) {
    %c0_i32 = arith.constant 0 : i32
    %c0_i32_0 = arith.constant 0 : i32
    return %arg0, %c0_i32 : i32, i32
  }
  func.func @transform_4(%arg0: i32) -> (i32, i32) {
    %c0_i32 = arith.constant 0 : i32
    %c0_i32_0 = arith.constant 0 : i32
    return %arg0, %c0_i32 : i32, i32
  }
}

module attributes {stable_mosaic.version = 14 : i64} {
  func.func @_convbn_body(%arg0: i32, %arg1: memref<1000x128xf32, #tpu.memory_space<vmem>>, %arg2: memref<1000x128xf32, #tpu.memory_space<vmem>>, %arg3: memref<1000x1xf32, #tpu.memory_space<vmem>>, %arg4: memref<256x256xf32, #tpu.memory_space<vmem>>, %arg5: memref<1x256xf32, #tpu.memory_space<vmem>>, %arg6: memref<1000x256xf32, #tpu.memory_space<vmem>>, %arg7: memref<2x256xf32, #tpu.memory_space<vmem>>) attributes {dimension_semantics = [#tpu.dimension_semantics<arbitrary>], iteration_bounds = array<i64: 10>, scalar_prefetch = 0 : i64, scratch_operands = 0 : i64, tpu.core_type = #tpu.core_type<tc>, window_params = [{transform_indices = @transform_0, window_bounds = array<i64: 1000, 128>}, {transform_indices = @transform_1, window_bounds = array<i64: 1000, 128>}, {transform_indices = @transform_2, window_bounds = array<i64: 1000, 1>}, {pipeline_mode = #tpu.pipeline_mode<synchronous>, transform_indices = @transform_3, window_bounds = array<i64: 256, 256>}, {pipeline_mode = #tpu.pipeline_mode<synchronous>, transform_indices = @transform_4, window_bounds = array<i64: 1, 256>}, {transform_indices = @transform_5, window_bounds = array<i64: 1000, 256>}, {pipeline_mode = #tpu.pipeline_mode<synchronous>, transform_indices = @transform_6, window_bounds = array<i64: 2, 256>}]} {
    %get3A = arith.constant 0 : index
    %get3A_0 = arith.constant 0 : index
    %get3A_1 = vector.load %arg3[%get3A, %get3A_0] : memref<1000x1xf32, #tpu.memory_space<vmem>>, vector<1000x1xf32>
    %get3A_2 = arith.constant 0 : index
    %get3A_3 = arith.constant 0 : index
    %get3A_4 = vector.load %arg1[%get3A_2, %get3A_3] : memref<1000x128xf32, #tpu.memory_space<vmem>>, vector<1000x128xf32>
    %mul3A = vector.broadcast %get3A_1 : vector<1000x1xf32> to vector<1000x128xf32>
    %mul3A_5 = arith.mulf %get3A_4, %mul3A : vector<1000x128xf32>
    %get3A_6 = arith.constant 0 : index
    %get3A_7 = arith.constant 0 : index
    %get3A_8 = vector.load %arg4[%get3A_6, %get3A_7] : memref<256x256xf32, #tpu.memory_space<vmem>>, vector<128x256xf32>
    %dot_general3A = arith.constant dense<0.000000e+00> : vector<1000x256xf32>
    %dot_general3A_9 = tpu.matmul %mul3A_5, %get3A_8, %dot_general3A {dimension_numbers = #tpu.dot_dimension_numbers<[1], [0], [0], [1], [0, 0, 1, 1], [], []>, transpose_lhs_hint = false} : vector<1000x128xf32>, vector<128x256xf32>, vector<1000x256xf32> -> vector<1000x256xf32>
    %get3A_10 = arith.constant 0 : index
    %get3A_11 = arith.constant 0 : index
    %get3A_12 = vector.load %arg2[%get3A_10, %get3A_11] : memref<1000x128xf32, #tpu.memory_space<vmem>>, vector<1000x128xf32>
    %mul3A_13 = vector.broadcast %get3A_1 : vector<1000x1xf32> to vector<1000x128xf32>
    %mul3A_14 = arith.mulf %get3A_12, %mul3A_13 : vector<1000x128xf32>
    %get3A_15 = arith.constant 128 : index
    %get3A_16 = arith.constant 0 : index
    %get3A_17 = vector.load %arg4[%get3A_15, %get3A_16] : memref<256x256xf32, #tpu.memory_space<vmem>>, vector<128x256xf32>
    %dot_general3A_18 = arith.constant dense<0.000000e+00> : vector<1000x256xf32>
    %dot_general3A_19 = tpu.matmul %mul3A_14, %get3A_17, %dot_general3A_18 {dimension_numbers = #tpu.dot_dimension_numbers<[1], [0], [0], [1], [0, 0, 1, 1], [], []>, transpose_lhs_hint = false} : vector<1000x128xf32>, vector<128x256xf32>, vector<1000x256xf32> -> vector<1000x256xf32>
    %add3A = arith.addf %dot_general3A_9, %dot_general3A_19 : vector<1000x256xf32>
    %get3A_20 = arith.constant 0 : index
    %get3A_21 = arith.constant 0 : index
    %get3A_22 = vector.load %arg5[%get3A_20, %get3A_21] : memref<1x256xf32, #tpu.memory_space<vmem>>, vector<1x256xf32>
    %add3A_23 = vector.broadcast %get3A_22 : vector<1x256xf32> to vector<1000x256xf32>
    %add3A_24 = arith.addf %add3A, %add3A_23 : vector<1000x256xf32>
    %max3A = arith.constant 0.000000e+00 : f32
    %max3A_25 = vector.broadcast %max3A : f32 to vector<1000x256xf32>
    %max3A_26 = arith.maximumf %add3A_24, %max3A_25 : vector<1000x256xf32>
    %swap3A = arith.constant 0 : index
    %swap3A_27 = arith.constant 0 : index
    %swap3A_28 = vector.load %arg6[%swap3A, %swap3A_27] : memref<1000x256xf32, #tpu.memory_space<vmem>>, vector<1000x256xf32>
    tpu.vector_store %arg6[%swap3A, %swap3A_27], %max3A_26 {strides = array<i32>} : memref<1000x256xf32, #tpu.memory_space<vmem>>, vector<1000x256xf32>,
    %eq3A = arith.constant 0 : i32
    %eq3A_29 = arith.cmpi eq, %arg0, %eq3A : i32
    %convert_element_type3A = arith.extui %eq3A_29 : i1 to i32
    %cond3A = arith.constant 0 : i32
    %cond3A_30 = arith.cmpi ne, %convert_element_type3A, %cond3A : i32
    scf.if %cond3A_30 {
      %broadcast_in_dim3A_50 = arith.constant 0.000000e+00 : f32
      %broadcast_in_dim3A_51 = vector.broadcast %broadcast_in_dim3A_50 : f32 to vector<2x256xf32>
      %swap3A_52 = arith.constant 0 : index
      %swap3A_53 = arith.constant 0 : index
      %swap3A_54 = vector.load %arg7[%swap3A_52, %swap3A_53] : memref<2x256xf32, #tpu.memory_space<vmem>>, vector<2x256xf32>
      tpu.vector_store %arg7[%swap3A_52, %swap3A_53], %broadcast_in_dim3A_51 {strides = array<i32>} : memref<2x256xf32, #tpu.memory_space<vmem>>, vector<2x256xf32>,
    } else {
    }
    %get3A_31 = arith.constant 0 : index
    %get3A_32 = arith.constant 0 : index
    %get3A_33 = vector.load %arg7[%get3A_31, %get3A_32] : memref<2x256xf32, #tpu.memory_space<vmem>>, vector<1x256xf32>
    %reduce_sum3A = arith.constant dense<0.000000e+00> : vector<256xf32>
    %reduce_sum3A_34 = vector.multi_reduction <add>, %max3A_26, %reduce_sum3A [0] : vector<1000x256xf32> to vector<256xf32>
    %broadcast_in_dim3A = vector.shape_cast %reduce_sum3A_34 : vector<256xf32> to vector<1x256xf32>
    %add3A_35 = arith.addf %get3A_33, %broadcast_in_dim3A : vector<1x256xf32>
    %swap3A_36 = arith.constant 0 : index
    %swap3A_37 = arith.constant 0 : index
    %swap3A_38 = vector.load %arg7[%swap3A_36, %swap3A_37] : memref<2x256xf32, #tpu.memory_space<vmem>>, vector<1x256xf32>
    tpu.vector_store %arg7[%swap3A_36, %swap3A_37], %add3A_35 {strides = array<i32>} : memref<2x256xf32, #tpu.memory_space<vmem>>, vector<1x256xf32>,
    %get3A_39 = arith.constant 1 : index
    %get3A_40 = arith.constant 0 : index
    %get3A_41 = vector.load %arg7[%get3A_39, %get3A_40] : memref<2x256xf32, #tpu.memory_space<vmem>>, vector<1x256xf32>
    %mul3A_42 = arith.mulf %max3A_26, %max3A_26 : vector<1000x256xf32>
    %reduce_sum3A_43 = arith.constant dense<0.000000e+00> : vector<256xf32>
    %reduce_sum3A_44 = vector.multi_reduction <add>, %mul3A_42, %reduce_sum3A_43 [0] : vector<1000x256xf32> to vector<256xf32>
    %broadcast_in_dim3A_45 = vector.shape_cast %reduce_sum3A_44 : vector<256xf32> to vector<1x256xf32>
    %add3A_46 = arith.addf %get3A_41, %broadcast_in_dim3A_45 : vector<1x256xf32>
    %swap3A_47 = arith.constant 1 : index
    %swap3A_48 = arith.constant 0 : index
    %swap3A_49 = vector.load %arg7[%swap3A_47, %swap3A_48] : memref<2x256xf32, #tpu.memory_space<vmem>>, vector<1x256xf32>
    tpu.vector_store %arg7[%swap3A_47, %swap3A_48], %add3A_46 {strides = array<i32>} : memref<2x256xf32, #tpu.memory_space<vmem>>, vector<1x256xf32>,
    return
  }
  func.func @transform_0(%arg0: i32) -> (i32, i32) {
    %c0_i32 = arith.constant 0 : i32
    %c0_i32_0 = arith.constant 0 : i32
    return %arg0, %c0_i32 : i32, i32
  }
  func.func @transform_1(%arg0: i32) -> (i32, i32) {
    %c0_i32 = arith.constant 0 : i32
    %c0_i32_0 = arith.constant 0 : i32
    return %arg0, %c0_i32 : i32, i32
  }
  func.func @transform_2(%arg0: i32) -> (i32, i32) {
    %c0_i32 = arith.constant 0 : i32
    %c0_i32_0 = arith.constant 0 : i32
    return %arg0, %c0_i32 : i32, i32
  }
  func.func @transform_3(%arg0: i32) -> (i32, i32) {
    %c0_i32 = arith.constant 0 : i32
    %c0_i32_0 = arith.constant 0 : i32
    %c0_i32_1 = arith.constant 0 : i32
    return %c0_i32, %c0_i32_0 : i32, i32
  }
  func.func @transform_4(%arg0: i32) -> (i32, i32) {
    %c0_i32 = arith.constant 0 : i32
    %c0_i32_0 = arith.constant 0 : i32
    %c0_i32_1 = arith.constant 0 : i32
    return %c0_i32, %c0_i32_0 : i32, i32
  }
  func.func @transform_5(%arg0: i32) -> (i32, i32) {
    %c0_i32 = arith.constant 0 : i32
    %c0_i32_0 = arith.constant 0 : i32
    return %arg0, %c0_i32 : i32, i32
  }
  func.func @transform_6(%arg0: i32) -> (i32, i32) {
    %c0_i32 = arith.constant 0 : i32
    %c0_i32_0 = arith.constant 0 : i32
    %c0_i32_1 = arith.constant 0 : i32
    return %c0_i32, %c0_i32_0 : i32, i32
  }
}

module attributes {stable_mosaic.version = 14 : i64} {
  func.func @_affine_body(%arg0: i32, %arg1: memref<1000x256xf32, #tpu.memory_space<vmem>>, %arg2: memref<1x256xf32, #tpu.memory_space<vmem>>, %arg3: memref<1x256xf32, #tpu.memory_space<vmem>>, %arg4: memref<1000x256xf32, #tpu.memory_space<vmem>>) attributes {dimension_semantics = [#tpu.dimension_semantics<arbitrary>], iteration_bounds = array<i64: 10>, scalar_prefetch = 0 : i64, scratch_operands = 0 : i64, tpu.core_type = #tpu.core_type<tc>, window_params = [{transform_indices = @transform_0, window_bounds = array<i64: 1000, 256>}, {pipeline_mode = #tpu.pipeline_mode<synchronous>, transform_indices = @transform_1, window_bounds = array<i64: 1, 256>}, {pipeline_mode = #tpu.pipeline_mode<synchronous>, transform_indices = @transform_2, window_bounds = array<i64: 1, 256>}, {transform_indices = @transform_3, window_bounds = array<i64: 1000, 256>}]} {
    %get3A = arith.constant 0 : index
    %get3A_0 = arith.constant 0 : index
    %get3A_1 = vector.load %arg1[%get3A, %get3A_0] : memref<1000x256xf32, #tpu.memory_space<vmem>>, vector<1000x256xf32>
    %get3A_2 = arith.constant 0 : index
    %get3A_3 = arith.constant 0 : index
    %get3A_4 = vector.load %arg2[%get3A_2, %get3A_3] : memref<1x256xf32, #tpu.memory_space<vmem>>, vector<1x256xf32>
    %mul3A = vector.broadcast %get3A_4 : vector<1x256xf32> to vector<1000x256xf32>
    %mul3A_5 = arith.mulf %get3A_1, %mul3A : vector<1000x256xf32>
    %get3A_6 = arith.constant 0 : index
    %get3A_7 = arith.constant 0 : index
    %get3A_8 = vector.load %arg3[%get3A_6, %get3A_7] : memref<1x256xf32, #tpu.memory_space<vmem>>, vector<1x256xf32>
    %add3A = vector.broadcast %get3A_8 : vector<1x256xf32> to vector<1000x256xf32>
    %add3A_9 = arith.addf %mul3A_5, %add3A : vector<1000x256xf32>
    %swap3A = arith.constant 0 : index
    %swap3A_10 = arith.constant 0 : index
    %swap3A_11 = vector.load %arg4[%swap3A, %swap3A_10] : memref<1000x256xf32, #tpu.memory_space<vmem>>, vector<1000x256xf32>
    tpu.vector_store %arg4[%swap3A, %swap3A_10], %add3A_9 {strides = array<i32>} : memref<1000x256xf32, #tpu.memory_space<vmem>>, vector<1000x256xf32>,
    return
  }
  func.func @transform_0(%arg0: i32) -> (i32, i32) {
    %c0_i32 = arith.constant 0 : i32
    %c0_i32_0 = arith.constant 0 : i32
    return %arg0, %c0_i32 : i32, i32
  }
  func.func @transform_1(%arg0: i32) -> (i32, i32) {
    %c0_i32 = arith.constant 0 : i32
    %c0_i32_0 = arith.constant 0 : i32
    %c0_i32_1 = arith.constant 0 : i32
    return %c0_i32, %c0_i32_0 : i32, i32
  }
  func.func @transform_2(%arg0: i32) -> (i32, i32) {
    %c0_i32 = arith.constant 0 : i32
    %c0_i32_0 = arith.constant 0 : i32
    %c0_i32_1 = arith.constant 0 : i32
    return %c0_i32, %c0_i32_0 : i32, i32
  }
  func.func @transform_3(%arg0: i32) -> (i32, i32) {
    %c0_i32 = arith.constant 0 : i32
    %c0_i32_0 = arith.constant 0 : i32
    return %arg0, %c0_i32 : i32, i32
  }
}

</mosaic_0001>

<sc_bundles>
// kernel: kernel.10.cloned.1.call-start
scs
__scs_entry_jumppad:
0x0: {  	(pc) =	sbr.rel $0x88, $3  }
0x1: {  	(tag) =	ssettag $0x0;
	lr =	simm.s32 $0x1  }
0x2: {  	[smem:$0x3F9B] =	sst lr;
	_ =	strace $0xD0000000  }
0x3: {  	_ = 	snop  }
0x4: {  	_ = 	snop  }
0x5: {  	_ = 	snop  }
0x6: {  	_ = 	snop  }
0x7: {  	_ = 	snop  }
__scs_overlays_trampoline_lowered:
0x8: {  	[smem:$0x3FAA] =	sst s0  }
0x9: {  	[smem:$0x3FAB] =	sst s1  }
0xa: {  	[smem:$0x3FAC] =	sst s2  }
0xb: {  	[smem:$0x3FAD] =	sst s3  }
0xc: {  	[smem:$0x3FAE] =	sst s4  }
0xd: {  	[smem:$0x3FAF] =	sst s5  }
0xe: {  	[smem:$0x3FB0] =	sst s6  }
0xf: {  	[smem:$0x3FB1] =	sst s7  }
0x10: {  	[smem:$0x3FB2] =	sst s8  }
0x11: {  	[smem:$0x3FB3] =	sst s9;
	s0 =	simm.s32 @!p0 $0x0  }
0x12: {  	s1 =	sld [smem:$0x3F99];
	s0 =	simm.s32 @p0 $0x1  }
0x13: {  	[smem:$0x3FB4] =	sst s0;
	s0 =	simm.s32 @!p1 $0x0  }
0x14: {  	s2 =	sld [smem:$0x3F98];
	s0 =	simm.s32 @p1 $0x1  }
0x15: {  	[smem:$0x3FB5] =	sst s0;
	s0 =	simm.s32 @!p2 $0x0  }
0x16: {  	s3 =	sld [smem:$0x3FDB];
	s0 =	simm.s32 @p2 $0x1  }
0x17: {  	s4 =	simm.s32 $0x1BF5;
	[smem:$0x3FB7] =	sst s0  }
0x18: {  	s0 =	sld [smem:$0x3F9A];
	_ =	swait.ge [sflag:s4], $0x0  }
0x19: {  	s7 =	sld [smem:$0x3F9B]  }
0x1a: {  	s8 =	sadd.s32 $0xFFFFE003, lr  }
0x1b: {  	s9 =	sadd.s32 $0xFFFFFEF7, lr;
	s5 =	simm.s32 $0xFFFFFFFF;
	p2 =	slt.u32 s8, $0xFFFFF086  }
0x1c: {  	p1 =	slt.u32 s9, $0xF7A;
	s5 =	simm.s32 @!p2 $0x0  }
0x1d: {  	s5 =	simm.s32 @p1 $0x1;
	p0 =	seq.s32 s7, s2  }
0x1e: {  	s7 =	smul.u32 @!p0 $0xF7A, s2;
	p2 =	seq.s32 @!p0 s5, $0x0  }
0x1f: {  	s9 =	smul.u32 $0xF7A, s1;
	s8 =	simm.s32 @!p0 $0x1BF5;
	p2 =	por !p2, p0  }
0x20: {  	[sflag:s8] =	ssyncset.s32 @!p0 $0xFFFFF086;
	s6 =	sadd.s32 @!p0 s3, s7;
	s7 =	simm.s32 @!p0 $0x108  }
0x21: {  	s3 =	sadd.s32 s3, s9;
	s6 =	sadd.s32 @!p0 $0x88, s6;
	s7 =	simm.s32 @p2 $0x1082  }
0x22: {  	[simem:s7], [sflag:s8] =	dma.local @!p0 [hbm:s6], $0xF7A  }
0x23: {  	s9 =	sor.u32 $0xD0000000, s2;
	s6 =	simm.s32 $0x108;
	_ =	swait.ge @!p0 [sflag:s8], $0x0  }
0x24: {  	s3 =	sadd.s32 $0x88, s3;
	s6 =	simm.s32 @!p1 $0x1082;
	[sflag:s4] =	ssyncset.s32 $0xFFFFF086  }
0x25: {  	[simem:s6], [sflag:s4] =	dma.local [hbm:s3], $0xF7A  }
0x26: {  	[smem:$0x3F9B] =	sst s1;
	(tag) =	ssettag s2;
	_ =	strace s9  }
0x27: {  	s1 =	sld [smem:$0x3FAB]  }
0x28: {  	s2 =	sld [smem:$0x3FAC]  }
0x29: {  	s4 =	sld [smem:$0x3FAE]  }
0x2a: {  	p0 =	seq.s32 s5, $0x0;
	s5 =	sld [smem:$0x3FAF]  }
0x2b: {  	s6 =	sld [smem:$0x3FB0]  }
0x2c: {  	s7 =	sld [smem:$0x3FB1]  }
0x2d: {  	s3 =	simm.s32 $0x108;
	s8 =	sld [smem:$0x3FB2]  }
0x2e: {  	s3 =	simm.s32 @!p0 $0x1082;
	s9 =	sld [smem:$0x3FB3]  }
0x2f: {  	lr =	sadd.s32 s0, s3;
	s0 =	sld [smem:$0x3FAA]  }
0x30: {  	s3 =	sld [smem:$0x3FAD]  }
0x31: {  	[smem:$0x3FB6] =	sst s10  }
0x32: {  	s10 =	sld [smem:$0x3FB4];
	_ =	sdelay $0x3  }
0x33: {  	p0 =	seq.s32 s10, $0x1;
	s10 =	sld [smem:$0x3FB6];
	_ =	sdelay $0x3  }
0x34: {  	[smem:$0x3FB6] =	sst s10  }
0x35: {  	s10 =	sld [smem:$0x3FB5];
	_ =	sdelay $0x3  }
0x36: {  	p1 =	seq.s32 s10, $0x1;
	s10 =	sld [smem:$0x3FB6];
	_ =	sdelay $0x3  }
0x37: {  	[smem:$0x3FB6] =	sst s10  }
0x38: {  	s10 =	sld [smem:$0x3FB7]  }
0x39: {  	_ = 	snop;
	(pc) =	sbr.ind lr, $3  }
0x3a: {  	_ = 	snop  }
0x3b: {  	_ = 	snop  }
0x3c: {  	p2 =	seq.s32 s10, $0x1;
	s10 =	sld [smem:$0x3FB6]  }
0x3d: {  	_ =	shalt  }
0x3e: {  	_ =	shalt  }
0x3f: {  	_ =	shalt  }
0x40: {  	_ =	shalt  }
0x41: {  	_ =	shalt  }
0x42: {  	_ =	shalt  }
0x43: {  	_ =	shalt  }
0x44: {  	_ =	shalt  }
0x45: {  	_ =	shalt  }
0x46: {  	_ =	shalt  }
0x47: {  	_ =	shalt  }
0x48: {  	_ =	shalt  }
0x49: {  	_ =	shalt  }
0x4a: {  	_ =	shalt  }
0x4b: {  	_ =	shalt  }
0x4c: {  	_ =	shalt  }
0x4d: {  	_ =	shalt  }
0x4e: {  	_ =	shalt  }
0x4f: {  	_ =	shalt  }
0x50: {  	_ =	shalt  }
0x51: {  	_ =	shalt  }
0x52: {  	_ =	shalt  }
0x53: {  	_ =	shalt  }
0x54: {  	_ =	shalt  }
0x55: {  	_ =	shalt  }
0x56: {  	_ =	shalt  }
0x57: {  	_ =	shalt  }
0x58: {  	_ =	shalt  }
0x59: {  	_ =	shalt  }
0x5a: {  	_ =	shalt  }
0x5b: {  	_ =	shalt  }
0x5c: {  	_ =	shalt  }
0x5d: {  	_ =	shalt  }
0x5e: {  	_ =	shalt  }
0x5f: {  	_ =	shalt  }
0x60: {  	_ =	shalt  }
0x61: {  	_ =	shalt  }
0x62: {  	_ =	shalt  }
0x63: {  	_ =	shalt  }
0x64: {  	_ =	shalt  }
0x65: {  	_ =	shalt  }
0x66: {  	_ =	shalt  }
0x67: {  	_ =	shalt  }
0x68: {  	_ =	shalt  }
0x69: {  	_ =	shalt  }
0x6a: {  	_ =	shalt  }
0x6b: {  	_ =	shalt  }
0x6c: {  	_ =	shalt  }
0x6d: {  	_ =	shalt  }
0x6e: {  	_ =	shalt  }
0x6f: {  	_ =	shalt  }
0x70: {  	_ =	shalt  }
0x71: {  	_ =	shalt  }
0x72: {  	_ =	shalt  }
0x73: {  	_ =	shalt  }
0x74: {  	_ =	shalt  }
0x75: {  	_ =	shalt  }
0x76: {  	_ =	shalt  }
0x77: {  	_ =	shalt  }
0x78: {  	_ =	shalt  }
0x79: {  	_ =	shalt  }
0x7a: {  	_ =	shalt  }
0x7b: {  	_ =	shalt  }
0x7c: {  	_ =	shalt  }
0x7d: {  	_ =	shalt  }
0x7e: {  	_ =	shalt  }
0x7f: {  	_ =	shalt  }
0x80: {  	_ =	shalt  }
0x81: {  	_ =	shalt  }
0x82: {  	_ =	shalt  }
0x83: {  	_ =	shalt  }
0x84: {  	_ =	shalt  }
0x85: {  	_ =	shalt  }
0x86: {  	_ =	shalt  }
0x87: {  	_ =	shalt  }
.Lfunc_end0:
.L_simem_size_0:
called_computation.1_lowered:
.L_overlay_start_0:
0x88: {  	s2 =	sld [smem:$0x3FD9]  }
0x89: {  	s3 =	sld [smem:$0x3FFE];
	_ =	sdelay $0x1  }
0x8a: {  	s1 =	srdreg.scid  }
0x8b: {  	s0 =	sand.u32 $0x1, s1  }
0x8c: {  	s17 =	sshll.u32 s0, $0xA;
	s2 =	sadd.s32 s3, s2  }
0x8d: {  	s2 =	sadd.s32 s2, s17  }
0x8e: {  	[smem:$0x3FC2] =	sst s2  }
0x8f: {  	_ = 	snop  }
0x90: {  	s2 =	sld [smem:$0x3FD0];
	(tm) =	ssettm $0x1  }
0x91: {  	s18 =	sld [smem:$0x3FFB];
	_ =	sdelay $0x3  }
0x92: {  	_ =	strace s18  }
0x93: {  	s3 =	sld [smem:$0x3FFC];
	_ =	sdelay $0x3  }
0x94: {  	_ =	strace s3  }
0x95: {  	s3 =	sld [smem:$0x3FFD];
	_ =	sdelay $0x3  }
0x96: {  	_ =	strace s3  }
0x97: {  	_ =	strace $0x8FFFFFFF  }
0x98: {  	s19 =	sld [smem:$0x3FDB];
	_ =	sdelay $0x1  }
0x99: {  	s4 =	simm.s32 $_scs_section_size  }
0x9a: {  	s5 =	simm.s32 $_size__tile_overlayer_lowered;
	s6 =	simm.s32 $_tile_overlayer_lowered  }
0x9b: {  	s22 =	simm.s32 $0x1BFF;
	s21 =	sshll.u32 s6, $0x1;
	s3 =	sadd.s32 s4, s19  }
0x9c: {  	s7 =	simm.s32 $0x0;
	s20 =	sshll.u32 s5, $0x1;
	s5 =	sadd.s32 s21, s3  }
0x9d: {  	[timem:s7], [sflag:s22] =	dma.local [hbm:s5], s20  }
0x9e: {  	_ =	swait.ge [sflag:s22], s20  }
0x9f: {  	s4 =	ssub.s32 $0x0, s20;
	[sflag:s22] =	ssyncset.done $0x0  }
0xa0: {  	[sflag:s22] =	ssyncadd.s32 s4;
	_ =	sdelay $0x1  }
0xa1: {  	s23 =	simm.s32 $0x1B8B  }
0xa2: {  	_ =	swait.ge [sflag:s23], $0x1  }
0xa3: {  	[sflag:s23] =	ssyncset.done $0x0  }
0xa4: {  	s25 =	simm.s32 $0x1B8E;
	s24 =	sld [smem:$0x3FFE];
	[sflag:s23] =	ssyncadd.s32 $0xFFFFFFFF  }
0xa5: {  	s26 =	simm.s32 $execute0_lowered;
	[smem:$0x3FD2] =	sst s25  }
0xa6: {  	s5 =	sshll.u32 s26, $0x1;
	_ =	strace $0x80000049;
	[dreg:$0x1] =	wrdreg $0xFFFFFFFF  }
0xa7: {  	s28 =	simm.s32 $_size_execute0_lowered;
	s3 =	sadd.s32 s3, s5;
	[dreg:$0x0] =	wrdreg $0x0  }
0xa8: {  	s5 =	sshll.u32 s28, $0x1;
	[dreg:$0x2] =	wrdreg s3  }
0xa9: {  	[dreg:$0x3] =	wrdreg s5  }
0xaa: {  	[dreg:$0x4] =	wrdreg $0xC0  }
0xab: {  	_ =	task [dreg:s7], $0x5FFFF  }
0xac: {  	[dreg:$0x1] =	wrdreg $0xFFFFFFFF  }
0xad: {  	[dreg:$0x0] =	wrdreg $0x60  }
0xae: {  	[dreg:$0x2] =	wrdreg s2  }
0xaf: {  	[dreg:$0x3] =	wrdreg s24  }
0xb0: {  	[dreg:$0x4] =	wrdreg $0xA9000  }
0xb1: {  	[dreg:$0x5] =	wrdreg $0x9  }
0xb2: {  	_ =	task.clear_ibuf [dreg:s7], $0x6FFFF;
	_ =	strace $0x90000049  }
0xb3: {  	s29 =	simm.s32 $0x9;
	_ =	strace $0x8000004B  }
0xb4: {  	_ =	swait.ge [sflag:s29], $0x1  }
0xb5: {  	[sflag:s29] =	ssyncadd.s32 $0xFFFFFFFF  }
0xb6: {  	_ =	strace $0x9000004B  }
0xb7: {  	_ =	sfence  }
0xb8: {  	s30 =	sld [smem:$0x0];
	_ =	sdelay $0x2  }
0xb9: {  	s31 =	sshll.u32 s1, $0xD;
	s1 =	sshrl.u32 s1, $0x2  }
0xba: {  	s3 =	sand.u32 $0x4000, s31;
	s1 =	sadd.s32 s1, s30  }
0xbb: {  	s0 =	sor.u32 s3, s0;
	s1 =	sshll.u32 s1, $0x11  }
0xbc: {  	s0 =	sor.u32 s1, s0  }
0xbd: {  	s0 =	sadd.s32 $0x8F2B, s0  }
0xbe: {  	[sflag:s0] =	ssyncadd.remote.s32 $0x1  }
0xbf: {  	_ =	sfence.sel $0xFFFF  }
0xc0: {  	[dreg:$0x0] =	wrdreg $0xFFFFFFFF;
	(pc) =	sbr.abs _section_cstart, $3  }
0xc1: {  	[dreg:$0x1] =	wrdreg $0xFFFFFFFF  }
0xc2: {  	_ =	task.clear_ibuf [dreg:s7], $0x2FFFF;
	_ =	strace $0x9FFFFFFF  }
0xc3: {  	(tm) =	ssettm $0x7FFFFFFF  }
tec
execute0_lowered:
.L_overlay_start_1:
0x0: {  	(tag) =	ssettag $0x1  }
0x1: {  	s2 =	rddreg [dreg:$0x0]  }
0x2: {  	s0 =	rddreg [dreg:$0x1]  }
0x3: {  	s3 =	rddreg [dreg:$0x2];
	s13 =	stileid.u32  }
0x4: {  	s4 =	simm.s32 $0x0;
	s7 =	srdreg.scid;
	s16 =	simm.s32 $0x80  }
0x5: {  	s18 =	simm.s32 $0x5;
	s28 =	simm.s32 $0x2880;
	s29 =	simm.s32 $0x2  }
0x6: {  	s30 =	simm.s32 $0x4;
	s31 =	simm.s32 $0x2780;
	s1 =	sshrl.u32 s13, $0x3  }
0x7: {  	s5 =	sshll.u32 s13, $0x7;
	[smem:$0x7FF] =	sst s4;
	s11 =	smul.u32 $0x50000, s13  }
0x8: {  	s6 =	sadd.s32 $0x7800, s0;
	s7 =	sand.u32 $0x1, s7;
	s9 =	smul.u32 $0x2800, s13  }
0x9: {  	s8 =	sadd.s32 $0x34800, s0;
	s19 =	sshll.u32 s13, $0x6;
	s1 =	smul.u32 $0x14000, s1  }
0xa: {  	s5 =	sand.u32 $0x380, s5;
	_ =	strace $0x8000004A;
	s20 =	ssub.s32 $0x2, s7  }
0xb: {  	[dreg:$0x4] =	wrdreg s8;
	p0 =	seq.s32 s7, $0x1;
	s21 =	sshrl.u32 s20, $0x1  }
0xc: {  	s22 =	sshrl.u32 s11, $0x2;
	s24 =	sshrl.u32 s9, $0x3;
	s25 =	sadd.s32 s2, s9  }
0xd: {  	s1 =	sor.u32 s5, s1;
	s5 =	sadd.s32 $0xC800, s0;
	s23 =	sadd.s32 s22, s3  }
0xe: {  	[dreg:$0x6] =	wrdreg s25;
	s12 =	sadd.s32 s6, s24;
	s22 =	simm.s32 $0x2900  }
0xf: {  	s24 =	simm.s32 $0x1;
	s25 =	simm.s32 $0x3;
	s1 =	sshrl.u32 s1, $0x3  }
.Ltmp0:
0x10: {  	s26 =	sadd.s32 s5, s9;
	s15 =	sadd.s32 $0x4F0, s12;
	(pc) =	sbr.rel .LBB2_1-.Ltmp0, $4  }
0x11: {  	s1 =	sadd.s32 s1, s0;
	s0 =	sadd.s32 $0x5C800, s0;
	[dreg:$0x7] =	wrdreg s26  }
0x12: {  	s26 =	simm.s32 $0x6900;
	[dreg:$0x5] =	wrdreg s0;
	s0 =	ssub.s32 s20, s21  }
0x13: {  	s10 =	sadd.s32 $0x2800, s1;
	s1 =	sor.u32 $0x1C05, s19;
	s21 =	sshrl.u32 s23, $0x3  }
0x14: {  	s23 =	simm.s32 $0x2800;
	s14 =	smax.u32 s0, $0x1;
	s0 =	simm.s32 $0x0  }
.LBB2_7:
0x15: {  	[sflag:s18] =	ssyncset.done $0x0  }
0x16: {  	[sflag:s18] =	ssyncadd.s32 $0xFFFFC000  }
0x17: {  	_ =	swait.ge [sflag:s24], $0x4000  }
0x18: {  	[sflag:s24] =	ssyncset.done $0x0  }
0x19: {  	[sflag:s24] =	ssyncadd.s32 $0xFFFFC000  }
0x1a: {  	_ =	swait.ge [sflag:s25], $0x80  }
0x1b: {  	[sflag:s25] =	ssyncset.done $0x0  }
0x1c: {  	s20 =	smov.u32 s1;
	s7 =	rddreg [dreg:$0x5];
	[sflag:s25] =	ssyncadd.s32 $0xFFFFFF80  }
0x1d: {  	[tilespmem:s26], [sflag:$0x2] =	stream.indirect.gather [hbm4b:s5+s16], $0x80, s31, s16, $0xb8;
	[tilespmem:$0x1E900] =	vst v63  }
.LBB2_8:
0x1e: {  	[tilespmem:s28], [sflag:$0x4] =	stream.linear.gather [hbm4b:s15+s4], $0x80, $0x38;
	[tilespmem:$0x1E900] =	vst v63  }
0x1f: {  	_ = 	snop  }
0x20: {  	[spmem:s3] =	stream.indirect.scatter.add.f32 [tilespmem:s22], [sflag:$0x5], $0x80, s23, s16, $0xb8;
	[tilespmem:$0x1E900] =	vst v63  }
0x21: {  	_ =	swait.ge [sflag:s18], $0x4000  }
0x22: {  	[sflag:s18] =	ssyncset.done $0x0  }
0x23: {  	[sflag:s18] =	ssyncadd.s32 $0xFFFFC000  }
0x24: {  	_ =	swait.ge [sflag:s29], $0x4000  }
0x25: {  	[sflag:s29] =	ssyncset.done $0x0  }
0x26: {  	[sflag:s29] =	ssyncadd.s32 $0xFFFFC000  }
0x27: {  	_ =	swait.ge [sflag:s30], $0x80  }
0x28: {  	[sflag:s30] =	ssyncset.done $0x0  }
0x29: {  	[sflag:s30] =	ssyncadd.s32 $0xFFFFFF80  }
0x2a: {  	[spmem:s3] =	stream.indirect.scatter.add.f32 [tilespmem:s26], [sflag:$0x5], $0x80, s28, s16, $0xb8;
	[tilespmem:$0x1E900] =	vst v63  }
0x2b: {  	_ =	swait.ge [sflag:s18], $0x4000  }
0x2c: {  	s0 =	sadd.s32 $0x1, s0;
	[sflag:s18] =	ssyncset.done $0x0  }
0x2d: {  	p1 =	sne.s32 s0, s14;
	[sflag:s18] =	ssyncadd.s32 $0xFFFFC000  }
.Ltmp1:
0x2e: {  	s7 =	sadd.s32 s7, s9;
	[bflag:$0x0] =	sbarrier.arrive $0xFFFF;
	(pc) =	sbr.rel @!p1 .LBB2_9-.Ltmp1, $4  }
0x2f: {  	[hbm:s7], [sflag:s20] =	dma.local [spmem:s21], $0x2800  }
0x30: {  	_ =	swait.ge [sflag:s18], $0x2800  }
0x31: {  	[sflag:s18] =	ssyncset.done $0x0  }
0x32: {  	[sflag:s18] =	ssyncadd.s32 $0xFFFFD800  }
.LBB2_1:
.Ltmp2:
0x33: {  	s7 =	simm.s32 $0x400;
	(pc) =	sbr.rel @!p0 .LBB2_2-.Ltmp2, $4  }
0x34: {  	[tilespmem:s4], [sflag:$0x5] =	stream.strided.gather [hbm4b:s10+s16], $0x2800, s7, s16, $0x38;
	[tilespmem:$0x1E900] =	vst v63  }
0x35: {  	_ =	swait.ge [sflag:s18], $0x2800  }
0x36: {  	[sflag:s18] =	ssyncset.done $0x0  }
0x37: {  	[sflag:s18] =	ssyncadd.s32 $0xFFFFD800  }
0x38: {  	s7 =	rddreg [dreg:$0x7]  }
0x39: {  	[spmem:s21], [sflag:s1] =	dma.local [hbm:s7], $0x2800  }
0x3a: {  	_ =	swait.ge [sflag:s18], $0x2800  }
0x3b: {  	[sflag:s18] =	ssyncset.done $0x0  }
0x3c: {  	[sflag:s18] =	ssyncadd.s32 $0xFFFFD800  }
0x3d: {  	s7 =	simm.s32 $0x80;
	[bflag:$0x0] =	sbarrier.arrive $0xFFFF  }
0x3e: {  	[tilespmem:s22], [sflag:$0x1] =	stream.indirect.gather [hbm4b:s5+s7], $0x80, s4, s7, $0xb8;
	[tilespmem:$0x1E900] =	vst v63  }
0x3f: {  	_ = 	snop  }
0x40: {  	[tilespmem:s23], [sflag:$0x3] =	stream.linear.gather [hbm4b:s12+s4], $0x80, $0x38;
	[tilespmem:$0x1E900] =	vst v63  }
0x41: {  	_ =	swait.ge [sflag:s24], $0x4000  }
0x42: {  	s8 =	simm.s32 $0x0;
	[sflag:s24] =	ssyncset.done $0x0  }
0x43: {  	s11 =	simm.s32 $0x80;
	s8 =	sand.u32 $0x3C00, s8;
	[sflag:s24] =	ssyncadd.s32 $0xFFFFC000  }
0x44: {  	s11 =	sand.u32 $0x380, s11;
	s8 =	sadd.s32 s9, s8;
	_ =	swait.ge [sflag:s25], $0x80  }
0x45: {  	s8 =	sor.u32 s8, s11;
	[sflag:s25] =	ssyncset.done $0x0  }
0x46: {  	s8 =	sshrl.u32 s8, $0x3;
	[sflag:s25] =	ssyncadd.s32 $0xFFFFFF80  }
0x47: {  	[tilespmem:s26], [sflag:$0x2] =	stream.indirect.gather [hbm4b:s5+s16], $0x80, s7, s16, $0xb8;
	[tilespmem:$0x1E900] =	vst v63  }
0x48: {  	s8 =	sadd.s32 s6, s8  }
0x49: {  	[tilespmem:s28], [sflag:$0x4] =	stream.linear.gather [hbm4b:s8+s4], $0x80, $0x38;
	[tilespmem:$0x1E900] =	vst v63  }
0x4a: {  	_ = 	snop  }
0x4b: {  	[spmem:s3] =	stream.indirect.scatter.add.f32 [tilespmem:s22], [sflag:$0x5], $0x80, s23, s16, $0xb8;
	[tilespmem:$0x1E900] =	vst v63  }
0x4c: {  	_ =	swait.ge [sflag:s18], $0x4000  }
0x4d: {  	[sflag:s18] =	ssyncset.done $0x0  }
0x4e: {  	[sflag:s18] =	ssyncadd.s32 $0xFFFFC000  }
0x4f: {  	_ =	swait.ge [sflag:s29], $0x4000  }
0x50: {  	s13 =	simm.s32 $0x100;
	[sflag:s29] =	ssyncset.done $0x0  }
0x51: {  	s17 =	sand.u32 $0x7C00, s13;
	[sflag:s29] =	ssyncadd.s32 $0xFFFFC000  }
0x52: {  	s11 =	sadd.s32 s9, s17;
	s8 =	sand.u32 $0x300, s13;
	_ =	swait.ge [sflag:s30], $0x80  }
0x53: {  	s8 =	sor.u32 s8, s11;
	[sflag:s30] =	ssyncset.done $0x0  }
0x54: {  	s20 =	simm.s32 $0x100;
	s8 =	sshrl.u32 s8, $0x3;
	[sflag:s30] =	ssyncadd.s32 $0xFFFFFF80  }
0x55: {  	[tilespmem:s22], [sflag:$0x1] =	stream.indirect.gather [hbm4b:s5+s16], $0x80, s20, s16, $0xb8;
	[tilespmem:$0x1E900] =	vst v63  }
0x56: {  	s8 =	sadd.s32 s6, s8  }
0x57: {  	[tilespmem:s23], [sflag:$0x3] =	stream.linear.gather [hbm4b:s8+s4], $0x80, $0x38;
	[tilespmem:$0x1E900] =	vst v63  }
0x58: {  	_ = 	snop  }
0x59: {  	[spmem:s3] =	stream.indirect.scatter.add.f32 [tilespmem:s26], [sflag:$0x5], $0x80, s28, s16, $0xb8;
	[tilespmem:$0x1E900] =	vst v63  }
0x5a: {  	s8 =	simm.s32 $0x200;
	_ =	swait.ge [sflag:s18], $0x4000  }
.LBB2_6:
0x5b: {  	p1 =	sne.s32 s8, $0x2700;
	[sflag:s18] =	ssyncset.done $0x0;
	s7 =	sadd.s32 $0x100, s7  }
0x5c: {  	s11 =	smov.u32 s8;
	s8 =	sadd.s32 $0x100, s8;
	[sflag:s18] =	ssyncadd.s32 $0xFFFFC000  }
0x5d: {  	_ =	swait.ge [sflag:s24], $0x4000  }
0x5e: {  	[sflag:s24] =	ssyncset.done $0x0  }
0x5f: {  	s13 =	sadd.s32 $0xFFFFFF00, s11;
	[sflag:s24] =	ssyncadd.s32 $0xFFFFC000  }
0x60: {  	s17 =	sadd.s32 $0xFFFFFF80, s11;
	s13 =	sand.u32 $0x3C00, s13;
	_ =	swait.ge [sflag:s25], $0x80  }
0x61: {  	s17 =	sand.u32 $0x380, s17;
	s13 =	sadd.s32 s9, s13;
	[sflag:s25] =	ssyncset.done $0x0  }
0x62: {  	s13 =	sor.u32 s13, s17;
	[sflag:s25] =	ssyncadd.s32 $0xFFFFFF80  }
0x63: {  	[tilespmem:s26], [sflag:$0x2] =	stream.indirect.gather [hbm4b:s5+s16], $0x80, s7, s16, $0xb8;
	[tilespmem:$0x1E900] =	vst v63  }
0x64: {  	s13 =	sshrl.u32 s13, $0x3  }
0x65: {  	s13 =	sadd.s32 s6, s13  }
0x66: {  	[tilespmem:s28], [sflag:$0x4] =	stream.linear.gather [hbm4b:s13+s4], $0x80, $0x38;
	[tilespmem:$0x1E900] =	vst v63  }
0x67: {  	_ = 	snop  }
0x68: {  	[spmem:s3] =	stream.indirect.scatter.add.f32 [tilespmem:s22], [sflag:$0x5], $0x80, s23, s16, $0xb8;
	[tilespmem:$0x1E900] =	vst v63  }
0x69: {  	_ =	swait.ge [sflag:s18], $0x4000  }
0x6a: {  	[sflag:s18] =	ssyncset.done $0x0  }
0x6b: {  	[sflag:s18] =	ssyncadd.s32 $0xFFFFC000  }
0x6c: {  	_ =	swait.ge [sflag:s29], $0x4000  }
0x6d: {  	[sflag:s29] =	ssyncset.done $0x0  }
0x6e: {  	s13 =	sand.u32 $0x7C00, s11;
	[sflag:s29] =	ssyncadd.s32 $0xFFFFC000  }
0x6f: {  	s11 =	sand.u32 $0x300, s11;
	s13 =	sadd.s32 s9, s13;
	_ =	swait.ge [sflag:s30], $0x80  }
0x70: {  	s11 =	sor.u32 s11, s13;
	[sflag:s30] =	ssyncset.done $0x0  }
0x71: {  	s13 =	sadd.s32 $0x80, s7;
	s11 =	sshrl.u32 s11, $0x3;
	[sflag:s30] =	ssyncadd.s32 $0xFFFFFF80  }
0x72: {  	[tilespmem:s22], [sflag:$0x1] =	stream.indirect.gather [hbm4b:s5+s16], $0x80, s13, s16, $0xb8;
	[tilespmem:$0x1E900] =	vst v63  }
.Ltmp3:
0x73: {  	s11 =	sadd.s32 s6, s11;
	(pc) =	sbr.rel @p1 .LBB2_6-.Ltmp3, $4  }
0x74: {  	[tilespmem:s23], [sflag:$0x3] =	stream.linear.gather [hbm4b:s11+s4], $0x80, $0x38;
	[tilespmem:$0x1E900] =	vst v63  }
0x75: {  	_ = 	snop  }
0x76: {  	[spmem:s3] =	stream.indirect.scatter.add.f32 [tilespmem:s26], [sflag:$0x5], $0x80, s28, s16, $0xb8;
	[tilespmem:$0x1E900] =	vst v63  }
0x77: {  	_ =	swait.ge [sflag:s18], $0x4000  }
.Ltmp4:
0x78: {  	_ = 	snop;
	(pc) =	sbr.rel .LBB2_7-.Ltmp4, $1  }
0x79: {  	_ =	sdelay $0x3  }
.LBB2_2:
0x7a: {  	s20 =	sor.u32 $0x1C05, s19;
	s7 =	rddreg [dreg:$0x6]  }
0x7b: {  	[spmem:s21], [sflag:s20] =	dma.local [hbm:s7], $0x2800  }
0x7c: {  	_ =	swait.ge [sflag:s18], $0x2800  }
0x7d: {  	[sflag:s18] =	ssyncset.done $0x0  }
0x7e: {  	[sflag:s18] =	ssyncadd.s32 $0xFFFFD800  }
0x7f: {  	s7 =	simm.s32 $0x80;
	[bflag:$0x0] =	sbarrier.arrive $0xFFFF  }
0x80: {  	[tilespmem:s22], [sflag:$0x1] =	stream.indirect.gather [hbm4b:s2+s7], $0x80, s4, s7, $0xb8;
	[tilespmem:$0x1E900] =	vst v63  }
0x81: {  	_ = 	snop  }
0x82: {  	[tilespmem:s23], [sflag:$0x3] =	stream.linear.gather [hbm4b:s12+s4], $0x80, $0x38;
	[tilespmem:$0x1E900] =	vst v63  }
0x83: {  	_ =	swait.ge [sflag:s24], $0x4000  }
0x84: {  	s8 =	simm.s32 $0x0;
	[sflag:s24] =	ssyncset.done $0x0  }
0x85: {  	s17 =	simm.s32 $0x80;
	s8 =	sand.u32 $0x3C00, s8;
	[sflag:s24] =	ssyncadd.s32 $0xFFFFC000  }
0x86: {  	s17 =	sand.u32 $0x380, s17;
	s8 =	sadd.s32 s9, s8;
	_ =	swait.ge [sflag:s25], $0x80  }
0x87: {  	s8 =	sor.u32 s8, s17;
	[sflag:s25] =	ssyncset.done $0x0  }
0x88: {  	s8 =	sshrl.u32 s8, $0x3;
	[sflag:s25] =	ssyncadd.s32 $0xFFFFFF80  }
0x89: {  	[tilespmem:s26], [sflag:$0x2] =	stream.indirect.gather [hbm4b:s2+s16], $0x80, s7, s16, $0xb8;
	[tilespmem:$0x1E900] =	vst v63  }
0x8a: {  	s8 =	sadd.s32 s6, s8  }
0x8b: {  	[tilespmem:s28], [sflag:$0x4] =	stream.linear.gather [hbm4b:s8+s4], $0x80, $0x38;
	[tilespmem:$0x1E900] =	vst v63  }
0x8c: {  	_ = 	snop  }
0x8d: {  	[spmem:s3] =	stream.indirect.scatter.add.f32 [tilespmem:s22], [sflag:$0x5], $0x80, s23, s16, $0xb8;
	[tilespmem:$0x1E900] =	vst v63  }
0x8e: {  	_ =	swait.ge [sflag:s18], $0x4000  }
0x8f: {  	[sflag:s18] =	ssyncset.done $0x0  }
0x90: {  	[sflag:s18] =	ssyncadd.s32 $0xFFFFC000  }
0x91: {  	_ =	swait.ge [sflag:s29], $0x4000  }
0x92: {  	s13 =	simm.s32 $0x100;
	[sflag:s29] =	ssyncset.done $0x0  }
0x93: {  	s11 =	sand.u32 $0x7C00, s13;
	[sflag:s29] =	ssyncadd.s32 $0xFFFFC000  }
0x94: {  	s17 =	sadd.s32 s9, s11;
	s8 =	sand.u32 $0x300, s13;
	_ =	swait.ge [sflag:s30], $0x80  }
0x95: {  	s8 =	sor.u32 s8, s17;
	[sflag:s30] =	ssyncset.done $0x0  }
0x96: {  	s13 =	simm.s32 $0x100;
	s8 =	sshrl.u32 s8, $0x3;
	[sflag:s30] =	ssyncadd.s32 $0xFFFFFF80  }
0x97: {  	[tilespmem:s22], [sflag:$0x1] =	stream.indirect.gather [hbm4b:s2+s16], $0x80, s13, s16, $0xb8;
	[tilespmem:$0x1E900] =	vst v63  }
0x98: {  	s8 =	sadd.s32 s6, s8  }
0x99: {  	[tilespmem:s23], [sflag:$0x3] =	stream.linear.gather [hbm4b:s8+s4], $0x80, $0x38;
	[tilespmem:$0x1E900] =	vst v63  }
0x9a: {  	_ = 	snop  }
0x9b: {  	[spmem:s3] =	stream.indirect.scatter.add.f32 [tilespmem:s26], [sflag:$0x5], $0x80, s28, s16, $0xb8;
	[tilespmem:$0x1E900] =	vst v63  }
0x9c: {  	s8 =	simm.s32 $0x200;
	_ =	swait.ge [sflag:s18], $0x4000  }
.LBB2_3:
0x9d: {  	p1 =	sne.s32 s8, $0x2700;
	[sflag:s18] =	ssyncset.done $0x0;
	s7 =	sadd.s32 $0x100, s7  }
0x9e: {  	s17 =	smov.u32 s8;
	s8 =	sadd.s32 $0x100, s8;
	[sflag:s18] =	ssyncadd.s32 $0xFFFFC000  }
0x9f: {  	_ =	swait.ge [sflag:s24], $0x4000  }
0xa0: {  	[sflag:s24] =	ssyncset.done $0x0  }
0xa1: {  	s11 =	sadd.s32 $0xFFFFFF00, s17;
	[sflag:s24] =	ssyncadd.s32 $0xFFFFC000  }
0xa2: {  	s13 =	sadd.s32 $0xFFFFFF80, s17;
	s11 =	sand.u32 $0x3C00, s11;
	_ =	swait.ge [sflag:s25], $0x80  }
0xa3: {  	s13 =	sand.u32 $0x380, s13;
	s11 =	sadd.s32 s9, s11;
	[sflag:s25] =	ssyncset.done $0x0  }
0xa4: {  	s11 =	sor.u32 s11, s13;
	[sflag:s25] =	ssyncadd.s32 $0xFFFFFF80  }
0xa5: {  	[tilespmem:s26], [sflag:$0x2] =	stream.indirect.gather [hbm4b:s2+s16], $0x80, s7, s16, $0xb8;
	[tilespmem:$0x1E900] =	vst v63  }
0xa6: {  	s11 =	sshrl.u32 s11, $0x3  }
0xa7: {  	s11 =	sadd.s32 s6, s11  }
0xa8: {  	[tilespmem:s28], [sflag:$0x4] =	stream.linear.gather [hbm4b:s11+s4], $0x80, $0x38;
	[tilespmem:$0x1E900] =	vst v63  }
0xa9: {  	_ = 	snop  }
0xaa: {  	[spmem:s3] =	stream.indirect.scatter.add.f32 [tilespmem:s22], [sflag:$0x5], $0x80, s23, s16, $0xb8;
	[tilespmem:$0x1E900] =	vst v63  }
0xab: {  	_ =	swait.ge [sflag:s18], $0x4000  }
0xac: {  	[sflag:s18] =	ssyncset.done $0x0  }
0xad: {  	[sflag:s18] =	ssyncadd.s32 $0xFFFFC000  }
0xae: {  	_ =	swait.ge [sflag:s29], $0x4000  }
0xaf: {  	[sflag:s29] =	ssyncset.done $0x0  }
0xb0: {  	s11 =	sand.u32 $0x7C00, s17;
	[sflag:s29] =	ssyncadd.s32 $0xFFFFC000  }
0xb1: {  	s13 =	sand.u32 $0x300, s17;
	s11 =	sadd.s32 s9, s11;
	_ =	swait.ge [sflag:s30], $0x80  }
0xb2: {  	s11 =	sor.u32 s13, s11;
	[sflag:s30] =	ssyncset.done $0x0  }
0xb3: {  	s13 =	sadd.s32 $0x80, s7;
	s11 =	sshrl.u32 s11, $0x3;
	[sflag:s30] =	ssyncadd.s32 $0xFFFFFF80  }
0xb4: {  	[tilespmem:s22], [sflag:$0x1] =	stream.indirect.gather [hbm4b:s2+s16], $0x80, s13, s16, $0xb8;
	[tilespmem:$0x1E900] =	vst v63  }
.Ltmp5:
0xb5: {  	s11 =	sadd.s32 s6, s11;
	(pc) =	sbr.rel @p1 .LBB2_3-.Ltmp5, $4  }
0xb6: {  	[tilespmem:s23], [sflag:$0x3] =	stream.linear.gather [hbm4b:s11+s4], $0x80, $0x38;
	[tilespmem:$0x1E900] =	vst v63  }
0xb7: {  	_ = 	snop  }
0xb8: {  	[spmem:s3] =	stream.indirect.scatter.add.f32 [tilespmem:s26], [sflag:$0x5], $0x80, s28, s16, $0xb8;
	[tilespmem:$0x1E900] =	vst v63  }
0xb9: {  	_ =	swait.ge [sflag:s18], $0x4000  }
0xba: {  	[sflag:s18] =	ssyncset.done $0x0  }
0xbb: {  	[sflag:s18] =	ssyncadd.s32 $0xFFFFC000  }
0xbc: {  	_ =	swait.ge [sflag:s24], $0x4000  }
0xbd: {  	[sflag:s24] =	ssyncset.done $0x0  }
.Ltmp6:
0xbe: {  	[sflag:s24] =	ssyncadd.s32 $0xFFFFC000;
	(pc) =	sbr.rel .LBB2_8-.Ltmp6, $4  }
0xbf: {  	_ =	swait.ge [sflag:s25], $0x80  }
0xc0: {  	[sflag:s25] =	ssyncset.done $0x0  }
0xc1: {  	s7 =	rddreg [dreg:$0x4];
	[sflag:s25] =	ssyncadd.s32 $0xFFFFFF80  }
0xc2: {  	[tilespmem:s26], [sflag:$0x2] =	stream.indirect.gather [hbm4b:s2+s16], $0x80, s31, s16, $0xb8;
	[tilespmem:$0x1E900] =	vst v63  }
.LBB2_9:
0xc3: {  	_ =	sfence.sel $0x180000  }
0xc4: {  	[bflag:$0x0] =	sbarrier.arrive $0xFFFF  }
0xc5: {  	_ =	strace $0x9000004A  }
0xc6: {  	s0 =	stileid.u32;
	[bflag:$0x2] =	sbarrier.arrive $0xFFFF  }
0xc7: {  	p0 =	sne.s32 s0, $0x0;
	s0 =	rddreg [dreg:$0x3]  }
0xc8: {  	s0 =	sadd.s32 @!p0 $0x100000, s0  }
0xc9: {  	[sflag:s0] =	ssyncadd.tile.s32 @!p0 $0x1;
	_ =	shalt  }
.Lfunc_end2:
_tile_overlayer_lowered:
.L_overlay_start_2:
0xca: {  	(tag) =	ssettag $0x2  }
0xcb: {  	s0 =	rddreg [dreg:$0x0];
	s2 =	stileid.u32  }
0xcc: {  	s1 =	rddreg [dreg:$0x1];
	p0 =	sne.s32 s2, $0x0  }
0xcd: {  	s3 =	rddreg [dreg:$0x2];
	[bflag:$0x3] =	sbarrier.arrive $0xFFFF;
	s2 =	simm.s32 @!p0 $0x1C05  }
0xce: {  	[timem:s3], [sflag:s2] =	dma.local @!p0 [hbm:s0], s1  }
0xcf: {  	s0 =	simm.s32 @!p0 $0x5  }
0xd0: {  	_ =	swait.ge @!p0 [sflag:s0], s1  }
0xd1: {  	s1 =	ssub.s32 @!p0 $0x0, s1;
	[sflag:s0] =	ssyncset.done @!p0 $0x0  }
0xd2: {  	[sflag:s0] =	ssyncadd.s32 @!p0 s1  }
0xd3: {  	[bflag:$0x3] =	sbarrier.arrive $0xFFFF  }
0xd4: {  	_ =	shalt  }

// kernel: kernel.7.cloned.1.call-start
scs
__scs_entry_jumppad:
0x0: {  	(pc) =	sbr.rel $0x88, $3  }
0x1: {  	(tag) =	ssettag $0x0;
	lr =	simm.s32 $0x1  }
0x2: {  	[smem:$0x3F9B] =	sst lr;
	_ =	strace $0xD0000000  }
0x3: {  	_ = 	snop  }
0x4: {  	_ = 	snop  }
0x5: {  	_ = 	snop  }
0x6: {  	_ = 	snop  }
0x7: {  	_ = 	snop  }
__scs_overlays_trampoline_lowered:
0x8: {  	[smem:$0x3FAA] =	sst s0  }
0x9: {  	[smem:$0x3FAB] =	sst s1  }
0xa: {  	[smem:$0x3FAC] =	sst s2  }
0xb: {  	[smem:$0x3FAD] =	sst s3  }
0xc: {  	[smem:$0x3FAE] =	sst s4  }
0xd: {  	[smem:$0x3FAF] =	sst s5  }
0xe: {  	[smem:$0x3FB0] =	sst s6  }
0xf: {  	[smem:$0x3FB1] =	sst s7  }
0x10: {  	[smem:$0x3FB2] =	sst s8  }
0x11: {  	[smem:$0x3FB3] =	sst s9;
	s0 =	simm.s32 @!p0 $0x0  }
0x12: {  	s1 =	sld [smem:$0x3F99];
	s0 =	simm.s32 @p0 $0x1  }
0x13: {  	[smem:$0x3FB4] =	sst s0;
	s0 =	simm.s32 @!p1 $0x0  }
0x14: {  	s2 =	sld [smem:$0x3F98];
	s0 =	simm.s32 @p1 $0x1  }
0x15: {  	[smem:$0x3FB5] =	sst s0;
	s0 =	simm.s32 @!p2 $0x0  }
0x16: {  	s3 =	sld [smem:$0x3FDB];
	s0 =	simm.s32 @p2 $0x1  }
0x17: {  	s4 =	simm.s32 $0x1BF5;
	[smem:$0x3FB7] =	sst s0  }
0x18: {  	s0 =	sld [smem:$0x3F9A];
	_ =	swait.ge [sflag:s4], $0x0  }
0x19: {  	s7 =	sld [smem:$0x3F9B]  }
0x1a: {  	s8 =	sadd.s32 $0xFFFFE003, lr  }
0x1b: {  	s9 =	sadd.s32 $0xFFFFFEF7, lr;
	s5 =	simm.s32 $0xFFFFFFFF;
	p2 =	slt.u32 s8, $0xFFFFF086  }
0x1c: {  	p1 =	slt.u32 s9, $0xF7A;
	s5 =	simm.s32 @!p2 $0x0  }
0x1d: {  	s5 =	simm.s32 @p1 $0x1;
	p0 =	seq.s32 s7, s2  }
0x1e: {  	s7 =	smul.u32 @!p0 $0xF7A, s2;
	p2 =	seq.s32 @!p0 s5, $0x0  }
0x1f: {  	s9 =	smul.u32 $0xF7A, s1;
	s8 =	simm.s32 @!p0 $0x1BF5;
	p2 =	por !p2, p0  }
0x20: {  	[sflag:s8] =	ssyncset.s32 @!p0 $0xFFFFF086;
	s6 =	sadd.s32 @!p0 s3, s7;
	s7 =	simm.s32 @!p0 $0x108  }
0x21: {  	s3 =	sadd.s32 s3, s9;
	s6 =	sadd.s32 @!p0 $0x88, s6;
	s7 =	simm.s32 @p2 $0x1082  }
0x22: {  	[simem:s7], [sflag:s8] =	dma.local @!p0 [hbm:s6], $0xF7A  }
0x23: {  	s9 =	sor.u32 $0xD0000000, s2;
	s6 =	simm.s32 $0x108;
	_ =	swait.ge @!p0 [sflag:s8], $0x0  }
0x24: {  	s3 =	sadd.s32 $0x88, s3;
	s6 =	simm.s32 @!p1 $0x1082;
	[sflag:s4] =	ssyncset.s32 $0xFFFFF086  }
0x25: {  	[simem:s6], [sflag:s4] =	dma.local [hbm:s3], $0xF7A  }
0x26: {  	[smem:$0x3F9B] =	sst s1;
	(tag) =	ssettag s2;
	_ =	strace s9  }
0x27: {  	s1 =	sld [smem:$0x3FAB]  }
0x28: {  	s2 =	sld [smem:$0x3FAC]  }
0x29: {  	s4 =	sld [smem:$0x3FAE]  }
0x2a: {  	p0 =	seq.s32 s5, $0x0;
	s5 =	sld [smem:$0x3FAF]  }
0x2b: {  	s6 =	sld [smem:$0x3FB0]  }
0x2c: {  	s7 =	sld [smem:$0x3FB1]  }
0x2d: {  	s3 =	simm.s32 $0x108;
	s8 =	sld [smem:$0x3FB2]  }
0x2e: {  	s3 =	simm.s32 @!p0 $0x1082;
	s9 =	sld [smem:$0x3FB3]  }
0x2f: {  	lr =	sadd.s32 s0, s3;
	s0 =	sld [smem:$0x3FAA]  }
0x30: {  	s3 =	sld [smem:$0x3FAD]  }
0x31: {  	[smem:$0x3FB6] =	sst s10  }
0x32: {  	s10 =	sld [smem:$0x3FB4];
	_ =	sdelay $0x3  }
0x33: {  	p0 =	seq.s32 s10, $0x1;
	s10 =	sld [smem:$0x3FB6];
	_ =	sdelay $0x3  }
0x34: {  	[smem:$0x3FB6] =	sst s10  }
0x35: {  	s10 =	sld [smem:$0x3FB5];
	_ =	sdelay $0x3  }
0x36: {  	p1 =	seq.s32 s10, $0x1;
	s10 =	sld [smem:$0x3FB6];
	_ =	sdelay $0x3  }
0x37: {  	[smem:$0x3FB6] =	sst s10  }
0x38: {  	s10 =	sld [smem:$0x3FB7]  }
0x39: {  	_ = 	snop;
	(pc) =	sbr.ind lr, $3  }
0x3a: {  	_ = 	snop  }
0x3b: {  	_ = 	snop  }
0x3c: {  	p2 =	seq.s32 s10, $0x1;
	s10 =	sld [smem:$0x3FB6]  }
0x3d: {  	_ =	shalt  }
0x3e: {  	_ =	shalt  }
0x3f: {  	_ =	shalt  }
0x40: {  	_ =	shalt  }
0x41: {  	_ =	shalt  }
0x42: {  	_ =	shalt  }
0x43: {  	_ =	shalt  }
0x44: {  	_ =	shalt  }
0x45: {  	_ =	shalt  }
0x46: {  	_ =	shalt  }
0x47: {  	_ =	shalt  }
0x48: {  	_ =	shalt  }
0x49: {  	_ =	shalt  }
0x4a: {  	_ =	shalt  }
0x4b: {  	_ =	shalt  }
0x4c: {  	_ =	shalt  }
0x4d: {  	_ =	shalt  }
0x4e: {  	_ =	shalt  }
0x4f: {  	_ =	shalt  }
0x50: {  	_ =	shalt  }
0x51: {  	_ =	shalt  }
0x52: {  	_ =	shalt  }
0x53: {  	_ =	shalt  }
0x54: {  	_ =	shalt  }
0x55: {  	_ =	shalt  }
0x56: {  	_ =	shalt  }
0x57: {  	_ =	shalt  }
0x58: {  	_ =	shalt  }
0x59: {  	_ =	shalt  }
0x5a: {  	_ =	shalt  }
0x5b: {  	_ =	shalt  }
0x5c: {  	_ =	shalt  }
0x5d: {  	_ =	shalt  }
0x5e: {  	_ =	shalt  }
0x5f: {  	_ =	shalt  }
0x60: {  	_ =	shalt  }
0x61: {  	_ =	shalt  }
0x62: {  	_ =	shalt  }
0x63: {  	_ =	shalt  }
0x64: {  	_ =	shalt  }
0x65: {  	_ =	shalt  }
0x66: {  	_ =	shalt  }
0x67: {  	_ =	shalt  }
0x68: {  	_ =	shalt  }
0x69: {  	_ =	shalt  }
0x6a: {  	_ =	shalt  }
0x6b: {  	_ =	shalt  }
0x6c: {  	_ =	shalt  }
0x6d: {  	_ =	shalt  }
0x6e: {  	_ =	shalt  }
0x6f: {  	_ =	shalt  }
0x70: {  	_ =	shalt  }
0x71: {  	_ =	shalt  }
0x72: {  	_ =	shalt  }
0x73: {  	_ =	shalt  }
0x74: {  	_ =	shalt  }
0x75: {  	_ =	shalt  }
0x76: {  	_ =	shalt  }
0x77: {  	_ =	shalt  }
0x78: {  	_ =	shalt  }
0x79: {  	_ =	shalt  }
0x7a: {  	_ =	shalt  }
0x7b: {  	_ =	shalt  }
0x7c: {  	_ =	shalt  }
0x7d: {  	_ =	shalt  }
0x7e: {  	_ =	shalt  }
0x7f: {  	_ =	shalt  }
0x80: {  	_ =	shalt  }
0x81: {  	_ =	shalt  }
0x82: {  	_ =	shalt  }
0x83: {  	_ =	shalt  }
0x84: {  	_ =	shalt  }
0x85: {  	_ =	shalt  }
0x86: {  	_ =	shalt  }
0x87: {  	_ =	shalt  }
.Lfunc_end0:
.L_simem_size_0:
called_computation_lowered:
.L_overlay_start_0:
0x88: {  	s2 =	sld [smem:$0x3FD9]  }
0x89: {  	s3 =	sld [smem:$0x3FFE];
	_ =	sdelay $0x1  }
0x8a: {  	s1 =	srdreg.scid  }
0x8b: {  	s0 =	sand.u32 $0x1, s1  }
0x8c: {  	s17 =	sshll.u32 s0, $0xA;
	s2 =	sadd.s32 s3, s2  }
0x8d: {  	s2 =	sadd.s32 s2, s17  }
0x8e: {  	[smem:$0x3FC2] =	sst s2  }
0x8f: {  	_ = 	snop  }
0x90: {  	s2 =	sld [smem:$0x3FD0];
	(tm) =	ssettm $0x1  }
0x91: {  	s18 =	sld [smem:$0x3FFB];
	_ =	sdelay $0x3  }
0x92: {  	_ =	strace s18  }
0x93: {  	s3 =	sld [smem:$0x3FFC];
	_ =	sdelay $0x3  }
0x94: {  	_ =	strace s3  }
0x95: {  	s3 =	sld [smem:$0x3FFD];
	_ =	sdelay $0x3  }
0x96: {  	_ =	strace s3  }
0x97: {  	_ =	strace $0x8FFFFFFF  }
0x98: {  	s19 =	sld [smem:$0x3FDB];
	_ =	sdelay $0x1  }
0x99: {  	s4 =	simm.s32 $_scs_section_size  }
0x9a: {  	s5 =	simm.s32 $_size__tile_overlayer_lowered;
	s6 =	simm.s32 $_tile_overlayer_lowered  }
0x9b: {  	s22 =	simm.s32 $0x1BFF;
	s21 =	sshll.u32 s6, $0x1;
	s3 =	sadd.s32 s4, s19  }
0x9c: {  	s7 =	simm.s32 $0x0;
	s20 =	sshll.u32 s5, $0x1;
	s5 =	sadd.s32 s21, s3  }
0x9d: {  	[timem:s7], [sflag:s22] =	dma.local [hbm:s5], s20  }
0x9e: {  	_ =	swait.ge [sflag:s22], s20  }
0x9f: {  	s4 =	ssub.s32 $0x0, s20;
	[sflag:s22] =	ssyncset.done $0x0  }
0xa0: {  	[sflag:s22] =	ssyncadd.s32 s4;
	_ =	sdelay $0x1  }
0xa1: {  	s23 =	simm.s32 $0x1B8B  }
0xa2: {  	_ =	swait.ge [sflag:s23], $0x1  }
0xa3: {  	[sflag:s23] =	ssyncset.done $0x0  }
0xa4: {  	s25 =	simm.s32 $0x1B8E;
	s24 =	sld [smem:$0x3FFE];
	[sflag:s23] =	ssyncadd.s32 $0xFFFFFFFF  }
0xa5: {  	s26 =	simm.s32 $execute0_lowered;
	[smem:$0x3FD2] =	sst s25  }
0xa6: {  	s5 =	sshll.u32 s26, $0x1;
	_ =	strace $0x80000046;
	[dreg:$0x1] =	wrdreg $0xFFFFFFFF  }
0xa7: {  	s28 =	simm.s32 $_size_execute0_lowered;
	s3 =	sadd.s32 s3, s5;
	[dreg:$0x0] =	wrdreg $0x0  }
0xa8: {  	s5 =	sshll.u32 s28, $0x1;
	[dreg:$0x2] =	wrdreg s3  }
0xa9: {  	[dreg:$0x3] =	wrdreg s5  }
0xaa: {  	[dreg:$0x4] =	wrdreg $0xC0  }
0xab: {  	_ =	task [dreg:s7], $0x5FFFF  }
0xac: {  	[dreg:$0x1] =	wrdreg $0xFFFFFFFF  }
0xad: {  	[dreg:$0x0] =	wrdreg $0x60  }
0xae: {  	[dreg:$0x2] =	wrdreg s2  }
0xaf: {  	[dreg:$0x3] =	wrdreg s24  }
0xb0: {  	[dreg:$0x4] =	wrdreg $0x41000  }
0xb1: {  	[dreg:$0x5] =	wrdreg $0x9  }
0xb2: {  	_ =	task.clear_ibuf [dreg:s7], $0x6FFFF;
	_ =	strace $0x90000046  }
0xb3: {  	s29 =	simm.s32 $0x9;
	_ =	strace $0x80000048  }
0xb4: {  	_ =	swait.ge [sflag:s29], $0x1  }
0xb5: {  	[sflag:s29] =	ssyncadd.s32 $0xFFFFFFFF  }
0xb6: {  	_ =	strace $0x90000048  }
0xb7: {  	_ =	sfence  }
0xb8: {  	s30 =	sld [smem:$0x0];
	_ =	sdelay $0x2  }
0xb9: {  	s31 =	sshll.u32 s1, $0xD;
	s1 =	sshrl.u32 s1, $0x2  }
0xba: {  	s3 =	sand.u32 $0x4000, s31;
	s1 =	sadd.s32 s1, s30  }
0xbb: {  	s0 =	sor.u32 s3, s0;
	s1 =	sshll.u32 s1, $0x11  }
0xbc: {  	s0 =	sor.u32 s1, s0  }
0xbd: {  	s0 =	sadd.s32 $0x8F2B, s0  }
0xbe: {  	[sflag:s0] =	ssyncadd.remote.s32 $0x1  }
0xbf: {  	_ =	sfence.sel $0xFFFF  }
0xc0: {  	[dreg:$0x0] =	wrdreg $0xFFFFFFFF;
	(pc) =	sbr.abs _section_cstart, $3  }
0xc1: {  	[dreg:$0x1] =	wrdreg $0xFFFFFFFF  }
0xc2: {  	_ =	task.clear_ibuf [dreg:s7], $0x2FFFF;
	_ =	strace $0x9FFFFFFF  }
0xc3: {  	(tm) =	ssettm $0x7FFFFFFF  }
tec
execute0_lowered:
.L_overlay_start_1:
0x0: {  	(tag) =	ssettag $0x1  }
0x1: {  	s3 =	rddreg [dreg:$0x0]  }
0x2: {  	s4 =	rddreg [dreg:$0x1];
	s1 =	srdreg.scid  }
0x3: {  	s0 =	stileid.u32;
	s5 =	rddreg [dreg:$0x2];
	s2 =	simm.s32 $0x0  }
0x4: {  	s12 =	simm.s32 $0x3C00;
	s13 =	simm.s32 $0x3E80;
	s14 =	simm.s32 $0x100  }
0x5: {  	s15 =	simm.s32 $0x0;
	s6 =	sand.u32 $0x1, s1;
	s1 =	rddreg [dreg:$0x3]  }
0x6: {  	s7 =	smul.u32 $0x500, s0;
	[smem:$0x7FF] =	sst s2;
	s28 =	sshll.u32 s0, $0x7  }
0x7: {  	s9 =	sshrl.u32 s0, $0x3;
	s11 =	smul.u32 $0x5000, s0;
	s8 =	sshll.u32 s6, $0x7  }
0x8: {  	s25 =	sshll.u32 s6, $0x4;
	_ =	strace $0x80000047;
	s6 =	ssub.s32 $0x2, s6  }
0x9: {  	s9 =	smul.u32 $0x50000, s9;
	s7 =	sor.u32 s8, s7;
	s8 =	sor.u32 s0, s25  }
0xa: {  	s10 =	sshrl.u32 s6, $0x1;
	s31 =	sshrl.u32 s11, $0x2;
	s11 =	simm.s32 $0x1400  }
0xb: {  	s7 =	sshrl.u32 s7, $0x3;
	s26 =	sshrl.u32 s8, $0x3;
	s8 =	sand.u32 $0x380, s28  }
0xc: {  	s29 =	sshrl.u32 s9, $0x2;
	s7 =	sadd.s32 s7, s4;
	s4 =	smul.u32 $0xA000, s26  }
0xd: {  	s10 =	ssub.s32 s6, s10;
	s9 =	simm.s32 $0x400;
	s30 =	sadd.s32 s29, s5  }
0xe: {  	s5 =	sadd.s32 s31, s5;
	s6 =	sadd.s32 $0x1E00, s7;
	s4 =	sor.u32 s8, s4  }
0xf: {  	s7 =	smax.u32 s10, $0x1;
	s10 =	simm.s32 $0x1;
	s4 =	sshrl.u32 s4, $0x3  }
0x10: {  	v0 =	vimm.f32 $0.0e+00;
	v1 =	vimm.f32 $1.000000000e+00;
	s3 =	sadd.s32 s3, s4;
	s4 =	sadd.s32 s8, s30;
	s8 =	simm.s32 $0x80  }
.LBB2_1:
0x11: {  	[tilespmem:s2], [sflag:$0x1] =	stream.strided.gather [hbm4b:s3+s8], $0x1400, s9, s8, $0x38;
	[tilespmem:$0x6900] =	vst v63  }
0x12: {  	_ =	swait.ge [sflag:s10], $0x1400  }
0x13: {  	[sflag:s10] =	ssyncset.done $0x0  }
0x14: {  	s16 =	simm.s32 $0x0;
	[sflag:s10] =	ssyncadd.s32 $0xFFFFEC00  }
.LBB2_2:
0x15: {  	p0 =	sne.s32 s16, $0x9FC0  }
.Ltmp0:
0x16: {  	_ = 	snop;
	(pc) =	sbr.rel @p0 .LBB2_2-.Ltmp0, $3  }
0x17: {  	_ =	sdelay $0x1  }
0x18: {  	s17 =	sshra.s32 s16, $0x2  }
0x19: {  	s16 =	sadd.s32 $0x40, s16;
	[tilespmem:s17+$0x1400] =	vst v0  }
0x1a: {  	s17 =	simm.s32 $0x0;
	s16 =	simm.s32 $0x40  }
.LBB2_4:
0x1b: {  	p0 =	sne.s32 s16, $0x4E00;
	v2 =	vld [tilespmem:s17+$0x0];
	_ =	sdelay $0x3  }
.Ltmp1:
0x1c: {  	(pc) =	sbr.rel @p0 .LBB2_4-.Ltmp1, $2  }
0x1d: {  	_ =	sdelay $0x2  }
0x1e: {  	s17 =	sshra.s32 s16, $0x2;
	s16 =	sadd.s32 $0x40, s16;
	[tilespmem:v2+s11+$0x0] =	vst.idx.add.f32.msk $0xffff, v1  }
0x1f: {  	v2 =	vld [tilespmem:s17+$0x0];
	_ =	sdelay $0x7  }
0x20: {  	s16 =	simm.s32 $0x1;
	[tilespmem:v2+s11+$0x0] =	vst.idx.add.f32.msk $0xffff, v1  }
0x21: {  	[spmem:s4] =	stream.strided.scatter [tilespmem:s11], [sflag:$0x1], $0x2800, s9, s8, $0x38;
	[tilespmem:$0x6900] =	vst v63  }
0x22: {  	_ =	swait.ge [sflag:s16], $0x2800  }
0x23: {  	[sflag:s16] =	ssyncset.done $0x0  }
0x24: {  	[sflag:s16] =	ssyncadd.s32 $0xFFFFD800  }
0x25: {  	[bflag:$0x0] =	sbarrier.arrive $0xFFFF  }
0x26: {  	[tilespmem:s12], [sflag:$0x1] =	stream.strided.gather [spmem:s5], $0x280, s9, s8, $0x38;
	[tilespmem:$0x6900] =	vst v63  }
0x27: {  	_ =	swait.ge [sflag:s16], $0x280  }
0x28: {  	[sflag:s16] =	ssyncset.done $0x0  }
0x29: {  	[sflag:s16] =	ssyncadd.s32 $0xFFFFFD80  }
.LBB2_6:
0x2a: {  	s17 =	sshrl.u32 s16, $0x3  }
0x2b: {  	s17 =	smul.u32 $0x50000, s17;
	_ =	sdelay $0x1  }
0x2c: {  	s18 =	sshll.u32 s16, $0x7;
	s17 =	sshra.s32 s17, $0x2  }
0x2d: {  	s18 =	sand.u32 $0x380, s18;
	s17 =	sadd.s32 s17, s5  }
0x2e: {  	s17 =	sadd.s32 s18, s17  }
0x2f: {  	[tilespmem:s13], [sflag:$0x1] =	stream.strided.gather [spmem:s17], $0x280, s9, s8, $0x38;
	[tilespmem:$0x6900] =	vst v63  }
0x30: {  	_ =	swait.ge [sflag:s10], $0x280  }
0x31: {  	[sflag:s10] =	ssyncset.done $0x0  }
0x32: {  	s17 =	simm.s32 $0x0;
	[sflag:s10] =	ssyncadd.s32 $0xFFFFFD80  }
0x33: {  	s18 =	simm.s32 $0x40;
	v2 =	vld [tilespmem:s17+$0x3E80]  }
.LBB2_7:
0x34: {  	p0 =	sne.s32 s18, $0x9C0;
	v3 =	vld [tilespmem:s17+$0x3C00];
	_ =	sdelay $0x2  }
.Ltmp2:
0x35: {  	(pc) =	sbr.rel @p0 .LBB2_7-.Ltmp2, $4  }
0x36: {  	_ = 	snop  }
0x37: {  	v3 =	vadd.f32 v2, v3  }
0x38: {  	s19 =	sshra.s32 s18, $0x2  }
0x39: {  	s18 =	sadd.s32 $0x40, s18;
	v2 =	vld [tilespmem:s19+$0x3E80];
	[tilespmem:s17+$0x3C00] =	vst v3;
	s17 =	smov.u32 s19  }
0x3a: {  	v3 =	vld [tilespmem:s17+$0x3C00]  }
0x3b: {  	s16 =	sadd.s32 $0x1, s16  }
0x3c: {  	p0 =	sne.s32 s16, $0x10  }
.Ltmp3:
0x3d: {  	_ = 	snop;
	(pc) =	sbr.rel @p0 .LBB2_6-.Ltmp3, $3  }
0x3e: {  	_ = 	snop  }
0x3f: {  	v2 =	vadd.f32 v2, v3;
	_ =	sdelay $0x1  }
0x40: {  	[tilespmem:s17+$0x3C00] =	vst v2  }
0x41: {  	s15 =	sadd.s32 $0x1, s15  }
0x42: {  	p0 =	sne.s32 s15, s7  }
.Ltmp4:
0x43: {  	_ = 	snop;
	(pc) =	sbr.rel @p0 .LBB2_1-.Ltmp4, $4  }
0x44: {  	[hbm4b:s6+s8] =	stream.strided.scatter [tilespmem:s12], [sflag:$0x1], $0x280, s14, s8, $0x38;
	[tilespmem:$0x6900] =	vst v63  }
0x45: {  	_ =	swait.ge [sflag:s10], $0x280  }
0x46: {  	[sflag:s10] =	ssyncset.done $0x0  }
0x47: {  	[sflag:s10] =	ssyncadd.s32 $0xFFFFFD80  }
0x48: {  	_ =	sfence.sel $0x180000  }
0x49: {  	[bflag:$0x0] =	sbarrier.arrive $0xFFFF  }
0x4a: {  	p0 =	sne.s32 s0, $0x0;
	_ =	strace $0x90000047  }
0x4b: {  	s0 =	sadd.s32 @!p0 $0x100000, s1;
	[bflag:$0x2] =	sbarrier.arrive $0xFFFF  }
0x4c: {  	[sflag:s0] =	ssyncadd.tile.s32 @!p0 $0x1;
	_ =	shalt  }
.Lfunc_end2:
_tile_overlayer_lowered:
.L_overlay_start_2:
0x4d: {  	(tag) =	ssettag $0x2  }
0x4e: {  	s0 =	rddreg [dreg:$0x0];
	s2 =	stileid.u32  }
0x4f: {  	s1 =	rddreg [dreg:$0x1];
	p0 =	sne.s32 s2, $0x0  }
0x50: {  	s3 =	rddreg [dreg:$0x2];
	[bflag:$0x3] =	sbarrier.arrive $0xFFFF;
	s2 =	simm.s32 @!p0 $0x1C01  }
0x51: {  	[timem:s3], [sflag:s2] =	dma.local @!p0 [hbm:s0], s1  }
0x52: {  	s0 =	simm.s32 @!p0 $0x1  }
0x53: {  	_ =	swait.ge @!p0 [sflag:s0], s1  }
0x54: {  	s1 =	ssub.s32 @!p0 $0x0, s1;
	[sflag:s0] =	ssyncset.done @!p0 $0x0  }
0x55: {  	[sflag:s0] =	ssyncadd.s32 @!p0 s1  }
0x56: {  	[bflag:$0x3] =	sbarrier.arrive $0xFFFF  }
0x57: {  	_ =	shalt  }

</sc_bundles>
